<compile_context>
chip_gen: v7x
topology: tpu7x:2x2x1
jax: 0.10.2.dev20260603
libtpu: 0.0.44.dev20260713+nightly
codegen_flags: <defaults>
</compile_context>

<pallas_src>
import jax
import jax.numpy as jnp
from jax import lax
from jax.experimental import pallas as pl
from jax.experimental.pallas import tpu as pltpu
from jax.experimental.pallas import tpu_sc as plsc

N = 10000
D = 256
DH = 128
E = 160000
NSUB = 16
EPT = E // NSUB
CH = 80
NCH = EPT // CH
GP = 25
NGP = NCH // GP
RQ = 624
TAIL = N - NSUB * RQ

BR = 2000
NB = N // BR

def _mesh():
    return plsc.VectorSubcoreMesh(core_axis_name="core",
                                  subcore_axis_name="subcore")



def _deg_body(dst_hbm, ones_hbm, zeros_hbm, out_hbm, dst_v, ones_v, acc):
    c = lax.axis_index("core")
    s = lax.axis_index("subcore")
    pltpu.sync_copy(dst_hbm.at[s], dst_v)
    pltpu.sync_copy(ones_hbm, ones_v)
    pltpu.sync_copy(zeros_hbm, acc.at[pl.ds(s * RQ, RQ)])

    @pl.when(s == 0)
    def _():
        pltpu.sync_copy(zeros_hbm.at[pl.ds(0, TAIL)],
                        acc.at[pl.ds(NSUB * RQ, TAIL)])

    plsc.subcore_barrier()
    off = c * 62

    @pl.loop(0, 62)
    def _(j):
        pltpu.sync_copy(ones_v, acc.at[dst_v.at[off + j]], add=True)

    @pl.when(c == 1)
    def _():
        pltpu.sync_copy(ones_v, acc.at[dst_v.at[124]], add=True)

    plsc.subcore_barrier()
    pltpu.sync_copy(acc.at[pl.ds(s * RQ, RQ)],
                    out_hbm.at[pl.ds(c * N + s * RQ, RQ)])

    @pl.when(s == 0)
    def _():
        pltpu.sync_copy(acc.at[pl.ds(NSUB * RQ, TAIL)],
                        out_hbm.at[pl.ds(c * N + NSUB * RQ, TAIL)])


def _agg_body(y_hbm, srcw_hbm, dst_hbm, out_hbm, src_v, dst_v, row0, row1,
              acc, sem0, sem1):
    c = lax.axis_index("core")
    s = lax.axis_index("subcore")
    pltpu.sync_copy(y_hbm.at[pl.ds(c * N + s * RQ, RQ)],
                    acc.at[pl.ds(s * RQ, RQ)])

    @pl.when(s == 0)
    def _():
        pltpu.sync_copy(y_hbm.at[pl.ds(c * N + NSUB * RQ, TAIL)],
                        acc.at[pl.ds(NSUB * RQ, TAIL)])

    plsc.subcore_barrier()

    @pl.loop(0, NGP)
    def _(g):
        pltpu.sync_copy(srcw_hbm.at[c, s, g], src_v)
        pltpu.sync_copy(dst_hbm.at[s, g], dst_v)
        pltpu.async_copy(y_hbm.at[src_v.at[0]], row0, sem0)

        @pl.loop(0, (GP - 1) // 2)
        def _(i):
            j = 2 * i
            pltpu.async_copy(y_hbm.at[src_v.at[j + 1]], row1, sem1)
            pltpu.make_async_copy(y_hbm.at[src_v.at[j]], row0, sem0).wait()
            pltpu.sync_copy(row0, acc.at[dst_v.at[j]], add=True)
            pltpu.async_copy(y_hbm.at[src_v.at[j + 2]], row0, sem0)
            pltpu.make_async_copy(y_hbm.at[src_v.at[j + 1]], row1, sem1).wait()
            pltpu.sync_copy(row1, acc.at[dst_v.at[j + 1]], add=True)

        pltpu.make_async_copy(y_hbm.at[src_v.at[GP - 1]], row0, sem0).wait()
        pltpu.sync_copy(row0, acc.at[dst_v.at[GP - 1]], add=True)

    plsc.subcore_barrier()
    pltpu.sync_copy(acc.at[pl.ds(s * RQ, RQ)],
                    out_hbm.at[pl.ds(c * N + s * RQ, RQ)])

    @pl.when(s == 0)
    def _():
        pltpu.sync_copy(acc.at[pl.ds(NSUB * RQ, TAIL)],
                        out_hbm.at[pl.ds(c * N + NSUB * RQ, TAIL)])


def _deg_call(dst_f, ones, zeros):
    fn = pl.kernel(
        _deg_body,
        out_type=jax.ShapeDtypeStruct((2 * N, DH), jnp.float32),
        mesh=_mesh(),
        scratch_types=[
            pltpu.VMEM((NCH, CH), jnp.int32),
            pltpu.VMEM((CH, DH), jnp.float32),
            pltpu.VMEM_SHARED((N, DH), jnp.float32),
        ],
    )
    return fn(dst_f, ones, zeros)


def _agg_call(y, srcw, dst_r):
    fn = pl.kernel(
        _agg_body,
        out_type=jax.ShapeDtypeStruct((2 * N, DH), jnp.float32),
        mesh=_mesh(),
        scratch_types=[
            pltpu.VMEM((GP, CH), jnp.int32),
            pltpu.VMEM((GP, CH), jnp.int32),
            pltpu.VMEM((CH, DH), jnp.float32),
            pltpu.VMEM((CH, DH), jnp.float32),
            pltpu.VMEM_SHARED((N, DH), jnp.float32),
            pltpu.SemaphoreType.DMA,
            pltpu.SemaphoreType.DMA,
        ],
    )
    return fn(y, srcw, dst_r)



def _dis_block(p0_ref, p1_ref):
    deg = 1.0 + p0_ref[:, :1] + p1_ref[:, :1]
    return lax.rsqrt(deg)


def _tca_body(x_ref, w_ref, o_ref):
    o_ref[...] = jnp.dot(x_ref[...], w_ref[...],
                         preferred_element_type=jnp.float32)


def _scale_body(u_ref, p0_ref, p1_ref, o_ref):
    o_ref[...] = u_ref[...] * _dis_block(p0_ref, p1_ref)


def _tcb_body(al_ref, ah_ref, p0_ref, p1_ref, w_ref, b_ref, o_ref):
    dis = _dis_block(p0_ref, p1_ref)
    agg = jnp.concatenate([al_ref[...], ah_ref[...]], axis=1)
    h = jnp.maximum(agg * dis + b_ref[...], 0.0)
    y = jnp.dot(h, w_ref[...], preferred_element_type=jnp.float32)
    o_ref[...] = y * dis


def _tcc_body(al_ref, ah_ref, p0_ref, p1_ref, b2_ref, wp1_ref, bp1_ref,
              wp2_ref, bp2_ref, o_ref):
    dis = _dis_block(p0_ref, p1_ref)
    agg = jnp.concatenate([al_ref[...], ah_ref[...]], axis=1)
    h = jnp.maximum(agg * dis + b2_ref[...], 0.0)
    t = jnp.dot(h, wp1_ref[...], preferred_element_type=jnp.float32) + bp1_ref[...]
    o = jnp.dot(t, wp2_ref[...], preferred_element_type=jnp.float32) + bp2_ref[...]
    m = jnp.max(o, axis=1, keepdims=True)
    ex = jnp.exp(o - m)
    ssum = jnp.sum(ex, axis=1, keepdims=True)
    o_ref[...] = (o - m) - jnp.log(ssum)


def _tca_call(x, W1):
    return pl.pallas_call(
        _tca_body,
        grid=(NB, 2),
        in_specs=[
            pl.BlockSpec((BR, D), lambda i, h: (i, 0)),
            pl.BlockSpec((D, DH), lambda i, h: (0, h)),
        ],
        out_specs=pl.BlockSpec((BR, DH), lambda i, h: (i + h * NB, 0)),
        out_shape=jax.ShapeDtypeStruct((2 * N, DH), jnp.float32),
    )(x, W1)


def _scale_call(u, p8):
    return pl.pallas_call(
        _scale_body,
        grid=(2 * NB,),
        in_specs=[
            pl.BlockSpec((BR, DH), lambda i: (i, 0)),
            pl.BlockSpec((BR, 8), lambda i: (i % NB, 0)),
            pl.BlockSpec((BR, 8), lambda i: (i % NB + NB, 0)),
        ],
        out_specs=pl.BlockSpec((BR, DH), lambda i: (i, 0)),
        out_shape=jax.ShapeDtypeStruct((2 * N, DH), jnp.float32),
    )(u, p8, p8)


def _tcb_call(agg, p8, W2, b1):
    return pl.pallas_call(
        _tcb_body,
        grid=(NB, 2),
        in_specs=[
            pl.BlockSpec((BR, DH), lambda i, h: (i, 0)),
            pl.BlockSpec((BR, DH), lambda i, h: (i + NB, 0)),
            pl.BlockSpec((BR, 8), lambda i, h: (i, 0)),
            pl.BlockSpec((BR, 8), lambda i, h: (i + NB, 0)),
            pl.BlockSpec((D, DH), lambda i, h: (0, h)),
            pl.BlockSpec((1, D), lambda i, h: (0, 0)),
        ],
        out_specs=pl.BlockSpec((BR, DH), lambda i, h: (i + h * NB, 0)),
        out_shape=jax.ShapeDtypeStruct((2 * N, DH), jnp.float32),
    )(agg, agg, p8, p8, W2, b1)


def _tcc_call(agg, p8, b2, Wp1, bp1, Wp2, bp2):
    return pl.pallas_call(
        _tcc_body,
        grid=(NB,),
        in_specs=[
            pl.BlockSpec((BR, DH), lambda i: (i, 0)),
            pl.BlockSpec((BR, DH), lambda i: (i + NB, 0)),
            pl.BlockSpec((BR, 8), lambda i: (i, 0)),
            pl.BlockSpec((BR, 8), lambda i: (i + NB, 0)),
            pl.BlockSpec((1, D), lambda i: (0, 0)),
            pl.BlockSpec((D, D), lambda i: (0, 0)),
            pl.BlockSpec((1, D), lambda i: (0, 0)),
            pl.BlockSpec((D, D), lambda i: (0, 0)),
            pl.BlockSpec((1, D), lambda i: (0, 0)),
        ],
        out_specs=pl.BlockSpec((BR, D), lambda i: (i, 0)),
        out_shape=jax.ShapeDtypeStruct((N, D), jnp.float32),
    )(agg, agg, p8, p8, b2, Wp1, bp1, Wp2, bp2)



def kernel(x, edge_index, W1, b1, W2, b2, Wp1, bp1, Wp2, bp2):
    ei = edge_index.astype(jnp.int32)
    src = ei[0]
    dst = ei[1]
    srcw = jnp.stack([src, src + N]).reshape(2, NSUB, NGP, GP, CH)
    dst_r = dst.reshape(NSUB, NGP, GP, CH)
    dst_f = dst.reshape(NSUB, NCH, CH)
    ones = jnp.ones((CH, DH), jnp.float32)
    zeros = jnp.zeros((RQ, DH), jnp.float32)

    degs = _deg_call(dst_f, ones, zeros)
    p8 = degs[:, :8]
    xwr = _tca_call(x, W1)
    y1 = _scale_call(xwr, p8)
    agg1 = _agg_call(y1, srcw, dst_r)
    y2 = _tcb_call(agg1, p8, W2, b1.reshape(1, D))
    agg2 = _agg_call(y2, srcw, dst_r)
    return _tcc_call(agg2, p8, b2.reshape(1, D), Wp1, bp1.reshape(1, D),
                     Wp2, bp2.reshape(1, D))

# --- scband reference (transcript-rebuilt; emitter-appended) ---
"""Pipeline reference for scband-gnn-1803886265678 (READ-ONLY COPY).

The authoritative reference and input builder live on the scoring server;
editing this copy changes nothing except your own understanding.
"""

import jax, jax.numpy as jnp
import numpy as np

N_NODES = 10000
D_IN = 256
D_HID = 256
D_OUT = 256


def gcn_conv(x, edge_index, W, b, n_nodes):
    # PyG GCNConv: add self-loops, symmetric normalization, x@W then aggregate, + bias
    src = edge_index[0]
    dst = edge_index[1]
    loop = jnp.arange(n_nodes, dtype=src.dtype)
    src = jnp.concatenate([src, loop])
    dst = jnp.concatenate([dst, loop])
    xw = x @ W
    deg = jnp.zeros((n_nodes,), dtype=xw.dtype).at[dst].add(1.0)
    deg_inv_sqrt = jnp.where(deg > 0, jax.lax.rsqrt(deg), 0.0)
    norm = deg_inv_sqrt[src] * deg_inv_sqrt[dst]
    msg = xw[src] * norm[:, None]
    out = jnp.zeros((n_nodes, xw.shape[1]), dtype=xw.dtype).at[dst].add(msg)
    return out + b


def setup_inputs(seed: int = 0) -> dict:
    key = jax.random.key(seed)
    ks = jax.random.split(key, 12)
    x = jax.random.normal(ks[0], (N_NODES, D_IN), dtype=jnp.float32)
    edge_index = jax.random.randint(ks[1], (2, 160000), 0, N_NODES, dtype=jnp.int64)
    s1 = 1.0 / np.sqrt(D_IN)
    s2 = 1.0 / np.sqrt(D_HID)
    W1 = jax.random.uniform(ks[2], (D_IN, D_HID), jnp.float32, -s1, s1)
    b1 = jnp.zeros((D_HID,), jnp.float32)
    W2 = jax.random.uniform(ks[3], (D_HID, D_HID), jnp.float32, -s2, s2)
    b2 = jnp.zeros((D_HID,), jnp.float32)
    Wp1 = jax.random.uniform(ks[4], (D_HID, D_HID), jnp.float32, -s2, s2)
    bp1 = jax.random.uniform(ks[5], (D_HID,), jnp.float32, -s2, s2)
    Wp2 = jax.random.uniform(ks[6], (D_HID, D_OUT), jnp.float32, -s2, s2)
    bp2 = jax.random.uniform(ks[7], (D_OUT,), jnp.float32, -s2, s2)
    return {"x": x, "edge_index": edge_index, "W1": W1, "b1": b1, "W2": W2, "b2": b2,
            "Wp1": Wp1, "bp1": bp1, "Wp2": Wp2, "bp2": bp2}


def reference(x, edge_index, W1, b1, W2, b2, Wp1, bp1, Wp2, bp2):
    n = x.shape[0]
    # layer 1
    h = gcn_conv(x, edge_index, W1, b1, n)
    h = jax.nn.relu(h)
    # dropout is identity in eval mode
    # layer 2
    h = gcn_conv(h, edge_index, W2, b2, n)
    h = jax.nn.relu(h)
    # post_mp: Linear -> Dropout(eval: identity) -> Linear
    h = h @ Wp1 + bp1
    h = h @ Wp2 + bp2
    return jax.nn.log_softmax(h, axis=1)

if __name__ == "__main__":
    import jax
    _d = setup_inputs()
    print(jax.jit(kernel)(*tuple(_d.values())))

</pallas_src>

<mosaic_0001>
#map = affine_map<(d0, d1) -> (0, 0, 0)>
#map1 = affine_map<(d0, d1) -> (0, 0)>
module attributes {stable_mosaic.version = 14 : i64} {
  func.func @_deg_body(%arg0: i32, %arg1: i32, %arg2: memref<16x125x80xi32, #tpu.memory_space<hbm>>, %arg3: memref<80x128xf32, #tpu.memory_space<hbm>>, %arg4: memref<624x128xf32, #tpu.memory_space<hbm>>, %arg5: memref<20000x128xf32, #tpu.memory_space<hbm>>, %arg6: memref<125x80xi32, #tpu.memory_space<vmem>>, %arg7: memref<80x128xf32, #tpu.memory_space<vmem>>, %arg8: memref<10000x128xf32, #tpu.memory_space<vmem_shared>>) attributes {dimension_semantics = [#tpu.dimension_semantics<core_parallel>, #tpu.dimension_semantics<subcore_parallel>], iteration_bounds = array<i64: 2, 16>, scalar_prefetch = 0 : i64, scratch_operands = 3 : i64, tpu.core_type = #tpu.core_type<sc_vector_subcore>, window_params = [{transform_indices = #map}, {transform_indices = #map1}, {transform_indices = #map1}, {transform_indices = #map1}]} {
    "tpu.region"() ({
      %run_scoped3A = tpu.sem_alloc : memref<!tpu.dma_semaphore, #tpu.memory_space<semaphore_mem>>
      %dma_start3A = arith.constant 0 : i32
      %dma_start3A_26 = arith.constant 0 : i32
      %dma_start3A_27 = tpu.memref_slice %arg2[%arg1, %dma_start3A, %dma_start3A_26] : memref<16x125x80xi32, #tpu.memory_space<hbm>> -> memref<1x125x80xi32, #tpu.memory_space<hbm>>
      %dma_start3A_28 = tpu.memref_squeeze %dma_start3A_27 : memref<1x125x80xi32, #tpu.memory_space<hbm>> -> memref<125x80xi32, #tpu.memory_space<hbm>>
      %dma_start3A_29 = arith.constant 0 : i32
      %dma_start3A_30 = arith.constant 0 : i32
      %dma_start3A_31 = tpu.memref_slice %arg2[%arg1, %dma_start3A_29, %dma_start3A_30] : memref<16x125x80xi32, #tpu.memory_space<hbm>> -> memref<1x125x80xi32, #tpu.memory_space<hbm>>
      %dma_start3A_32 = tpu.memref_squeeze %dma_start3A_31 : memref<1x125x80xi32, #tpu.memory_space<hbm>> -> memref<125x80xi32, #tpu.memory_space<hbm>>
      tpu.enqueue_dma source(%dma_start3A_32 : memref<125x80xi32, #tpu.memory_space<hbm>>) target(%arg6 : memref<125x80xi32, #tpu.memory_space<vmem>>) target_semaphore(%run_scoped3A : memref<!tpu.dma_semaphore, #tpu.memory_space<semaphore_mem>>)
      %dma_wait3A = arith.constant 0 : i32
      %dma_wait3A_33 = arith.constant 0 : i32
      %dma_wait3A_34 = tpu.memref_slice %arg2[%arg1, %dma_wait3A, %dma_wait3A_33] : memref<16x125x80xi32, #tpu.memory_space<hbm>> -> memref<1x125x80xi32, #tpu.memory_space<hbm>>
      %dma_wait3A_35 = tpu.memref_squeeze %dma_wait3A_34 : memref<1x125x80xi32, #tpu.memory_space<hbm>> -> memref<125x80xi32, #tpu.memory_space<hbm>>
      %dma_wait3A_36 = arith.constant 0 : i32
      %dma_wait3A_37 = arith.constant 0 : i32
      %dma_wait3A_38 = tpu.memref_slice %arg2[%arg1, %dma_wait3A_36, %dma_wait3A_37] : memref<16x125x80xi32, #tpu.memory_space<hbm>> -> memref<1x125x80xi32, #tpu.memory_space<hbm>>
      %dma_wait3A_39 = tpu.memref_squeeze %dma_wait3A_38 : memref<1x125x80xi32, #tpu.memory_space<hbm>> -> memref<125x80xi32, #tpu.memory_space<hbm>>
      tpu.wait_dma2 semaphore(%run_scoped3A : memref<!tpu.dma_semaphore, #tpu.memory_space<semaphore_mem>>) src(%dma_wait3A_39 : memref<125x80xi32, #tpu.memory_space<hbm>>) dst(%arg6 : memref<125x80xi32, #tpu.memory_space<vmem>>)
      tpu.yield
    }) : () -> ()
    "tpu.region"() ({
      %run_scoped3A = tpu.sem_alloc : memref<!tpu.dma_semaphore, #tpu.memory_space<semaphore_mem>>
      tpu.enqueue_dma source(%arg3 : memref<80x128xf32, #tpu.memory_space<hbm>>) target(%arg7 : memref<80x128xf32, #tpu.memory_space<vmem>>) target_semaphore(%run_scoped3A : memref<!tpu.dma_semaphore, #tpu.memory_space<semaphore_mem>>)
      tpu.wait_dma2 semaphore(%run_scoped3A : memref<!tpu.dma_semaphore, #tpu.memory_space<semaphore_mem>>) src(%arg3 : memref<80x128xf32, #tpu.memory_space<hbm>>) dst(%arg7 : memref<80x128xf32, #tpu.memory_space<vmem>>)
      tpu.yield
    }) : () -> ()
    %mul3A = arith.constant 624 : i32
    %mul3A_0 = arith.muli %arg1, %mul3A : i32
    "tpu.region"() ({
      %run_scoped3A = tpu.sem_alloc : memref<!tpu.dma_semaphore, #tpu.memory_space<semaphore_mem>>
      %dma_start3A = arith.constant 0 : i32
      %dma_start3A_26 = tpu.memref_slice %arg8[%mul3A_0, %dma_start3A] : memref<10000x128xf32, #tpu.memory_space<vmem_shared>> -> memref<624x128xf32, #tpu.memory_space<vmem_shared>>
      tpu.enqueue_dma source(%arg4 : memref<624x128xf32, #tpu.memory_space<hbm>>) target(%dma_start3A_26 : memref<624x128xf32, #tpu.memory_space<vmem_shared>>) target_semaphore(%run_scoped3A : memref<!tpu.dma_semaphore, #tpu.memory_space<semaphore_mem>>)
      %dma_wait3A = arith.constant 0 : i32
      %dma_wait3A_27 = tpu.memref_slice %arg8[%mul3A_0, %dma_wait3A] : memref<10000x128xf32, #tpu.memory_space<vmem_shared>> -> memref<624x128xf32, #tpu.memory_space<vmem_shared>>
      tpu.wait_dma2 semaphore(%run_scoped3A : memref<!tpu.dma_semaphore, #tpu.memory_space<semaphore_mem>>) src(%arg4 : memref<624x128xf32, #tpu.memory_space<hbm>>) dst(%dma_wait3A_27 : memref<624x128xf32, #tpu.memory_space<vmem_shared>>)
      tpu.yield
    }) : () -> ()
    %eq3A = arith.constant 0 : i32
    %eq3A_1 = arith.cmpi eq, %arg1, %eq3A : i32
    %convert_element_type3A = arith.extui %eq3A_1 : i1 to i32
    %cond3A = arith.constant 0 : i32
    %cond3A_2 = arith.cmpi ne, %convert_element_type3A, %cond3A : i32
    scf.if %cond3A_2 {
      "tpu.region"() ({
        %run_scoped3A = tpu.sem_alloc : memref<!tpu.dma_semaphore, #tpu.memory_space<semaphore_mem>>
        %dma_start3A = arith.constant 9984 : i32
        %dma_start3A_26 = arith.constant 0 : i32
        %dma_start3A_27 = tpu.memref_slice %arg8[%dma_start3A, %dma_start3A_26] : memref<10000x128xf32, #tpu.memory_space<vmem_shared>> -> memref<16x128xf32, #tpu.memory_space<vmem_shared>>
        %dma_start3A_28 = arith.constant 0 : i32
        %dma_start3A_29 = arith.constant 0 : i32
        %dma_start3A_30 = tpu.memref_slice %arg4[%dma_start3A_28, %dma_start3A_29] : memref<624x128xf32, #tpu.memory_space<hbm>> -> memref<16x128xf32, #tpu.memory_space<hbm>>
        tpu.enqueue_dma source(%dma_start3A_30 : memref<16x128xf32, #tpu.memory_space<hbm>>) target(%dma_start3A_27 : memref<16x128xf32, #tpu.memory_space<vmem_shared>>) target_semaphore(%run_scoped3A : memref<!tpu.dma_semaphore, #tpu.memory_space<semaphore_mem>>)
        %dma_wait3A = arith.constant 9984 : i32
        %dma_wait3A_31 = arith.constant 0 : i32
        %dma_wait3A_32 = tpu.memref_slice %arg8[%dma_wait3A, %dma_wait3A_31] : memref<10000x128xf32, #tpu.memory_space<vmem_shared>> -> memref<16x128xf32, #tpu.memory_space<vmem_shared>>
        %dma_wait3A_33 = arith.constant 0 : i32
        %dma_wait3A_34 = arith.constant 0 : i32
        %dma_wait3A_35 = tpu.memref_slice %arg4[%dma_wait3A_33, %dma_wait3A_34] : memref<624x128xf32, #tpu.memory_space<hbm>> -> memref<16x128xf32, #tpu.memory_space<hbm>>
        tpu.wait_dma2 semaphore(%run_scoped3A : memref<!tpu.dma_semaphore, #tpu.memory_space<semaphore_mem>>) src(%dma_wait3A_35 : memref<16x128xf32, #tpu.memory_space<hbm>>) dst(%dma_wait3A_32 : memref<16x128xf32, #tpu.memory_space<vmem_shared>>)
        tpu.yield
      }) : () -> ()
    } else {
    }
    %barrier3A = arith.constant 0 : index
    tpu.barrier barrier_id(%barrier3A)
    %mul3A_3 = arith.constant 62 : i32
    %mul3A_4 = arith.muli %arg0, %mul3A_3 : i32
    %scan3A = arith.constant 0 : i32
    %scan3A_5 = arith.constant 62 : i32
    %scan3A_6 = arith.addi %scan3A, %scan3A_5 : i32
    %scan3A_7 = arith.constant 1 : i32
    scf.for %scan3A_26 = %scan3A to %scan3A_6 step %scan3A_7  : i32 {
      %mul3A_27 = arith.constant 1 : i32
      %mul3A_28 = arith.muli %scan3A_26, %mul3A_27 : i32
      %add3A_29 = arith.constant 0 : i32
      %add3A_30 = arith.addi %add3A_29, %mul3A_28 : i32
      %add3A_31 = arith.addi %mul3A_4, %add3A_30 : i32
      "tpu.region"() ({
        %run_scoped3A = tpu.sem_alloc : memref<!tpu.dma_semaphore, #tpu.memory_space<semaphore_mem>>
        %dma_start3A = arith.constant 0 : i32
        %dma_start3A_32 = tpu.memref_slice %arg6[%add3A_31, %dma_start3A] : memref<125x80xi32, #tpu.memory_space<vmem>> -> memref<1x80xi32, #tpu.memory_space<vmem>>
        %dma_start3A_33 = tpu.memref_squeeze %dma_start3A_32 : memref<1x80xi32, #tpu.memory_space<vmem>> -> memref<80xi32, #tpu.memory_space<vmem>>
        %dma_start3A_34 = arith.constant 0 : i32
        %dma_start3A_35 = arith.constant 0 : i32
        %dma_start3A_36 = tpu.memref_slice %arg8[%dma_start3A_34, %dma_start3A_35] : memref<10000x128xf32, #tpu.memory_space<vmem_shared>> -> memref<10000x128xf32, #tpu.memory_space<vmem_shared>>
        tpu.enqueue_indirect_dma source(%arg7 : memref<80x128xf32, #tpu.memory_space<vmem>>) target(%dma_start3A_36 : memref<10000x128xf32, #tpu.memory_space<vmem_shared>>) offsets(%dma_start3A_33 : memref<80xi32, #tpu.memory_space<vmem>>) semaphore(%run_scoped3A : memref<!tpu.dma_semaphore, #tpu.memory_space<semaphore_mem>>) {add = true}
        %dma_wait3A = arith.constant 0 : i32
        %dma_wait3A_37 = tpu.memref_slice %arg6[%add3A_31, %dma_wait3A] : memref<125x80xi32, #tpu.memory_space<vmem>> -> memref<1x80xi32, #tpu.memory_space<vmem>>
        %dma_wait3A_38 = tpu.memref_squeeze %dma_wait3A_37 : memref<1x80xi32, #tpu.memory_space<vmem>> -> memref<80xi32, #tpu.memory_space<vmem>>
        %dma_wait3A_39 = arith.constant 0 : i32
        %dma_wait3A_40 = arith.constant 0 : i32
        %dma_wait3A_41 = tpu.memref_slice %arg8[%dma_wait3A_39, %dma_wait3A_40] : memref<10000x128xf32, #tpu.memory_space<vmem_shared>> -> memref<10000x128xf32, #tpu.memory_space<vmem_shared>>
        tpu.wait_indirect_dma semaphore(%run_scoped3A : memref<!tpu.dma_semaphore, #tpu.memory_space<semaphore_mem>>) src(%arg7 : memref<80x128xf32, #tpu.memory_space<vmem>>) dst(%dma_wait3A_41 : memref<10000x128xf32, #tpu.memory_space<vmem_shared>>)
        tpu.yield
      }) : () -> ()
    }
    %scan3A_8 = arith.constant 62 : i32
    %eq3A_9 = arith.constant 1 : i32
    %eq3A_10 = arith.cmpi eq, %arg0, %eq3A_9 : i32
    %convert_element_type3A_11 = arith.extui %eq3A_10 : i1 to i32
    %cond3A_12 = arith.constant 0 : i32
    %cond3A_13 = arith.cmpi ne, %convert_element_type3A_11, %cond3A_12 : i32
    scf.if %cond3A_13 {
      %run_scoped3A = arith.constant 124 : i32
      "tpu.region"() ({
        %run_scoped3A_26 = tpu.sem_alloc : memref<!tpu.dma_semaphore, #tpu.memory_space<semaphore_mem>>
        %dma_start3A = arith.constant 0 : i32
        %dma_start3A_27 = tpu.memref_slice %arg6[%run_scoped3A, %dma_start3A] : memref<125x80xi32, #tpu.memory_space<vmem>> -> memref<1x80xi32, #tpu.memory_space<vmem>>
        %dma_start3A_28 = tpu.memref_squeeze %dma_start3A_27 : memref<1x80xi32, #tpu.memory_space<vmem>> -> memref<80xi32, #tpu.memory_space<vmem>>
        %dma_start3A_29 = arith.constant 0 : i32
        %dma_start3A_30 = arith.constant 0 : i32
        %dma_start3A_31 = tpu.memref_slice %arg8[%dma_start3A_29, %dma_start3A_30] : memref<10000x128xf32, #tpu.memory_space<vmem_shared>> -> memref<10000x128xf32, #tpu.memory_space<vmem_shared>>
        tpu.enqueue_indirect_dma source(%arg7 : memref<80x128xf32, #tpu.memory_space<vmem>>) target(%dma_start3A_31 : memref<10000x128xf32, #tpu.memory_space<vmem_shared>>) offsets(%dma_start3A_28 : memref<80xi32, #tpu.memory_space<vmem>>) semaphore(%run_scoped3A_26 : memref<!tpu.dma_semaphore, #tpu.memory_space<semaphore_mem>>) {add = true}
        %dma_wait3A = arith.constant 0 : i32
        %dma_wait3A_32 = tpu.memref_slice %arg6[%run_scoped3A, %dma_wait3A] : memref<125x80xi32, #tpu.memory_space<vmem>> -> memref<1x80xi32, #tpu.memory_space<vmem>>
        %dma_wait3A_33 = tpu.memref_squeeze %dma_wait3A_32 : memref<1x80xi32, #tpu.memory_space<vmem>> -> memref<80xi32, #tpu.memory_space<vmem>>
        %dma_wait3A_34 = arith.constant 0 : i32
        %dma_wait3A_35 = arith.constant 0 : i32
        %dma_wait3A_36 = tpu.memref_slice %arg8[%dma_wait3A_34, %dma_wait3A_35] : memref<10000x128xf32, #tpu.memory_space<vmem_shared>> -> memref<10000x128xf32, #tpu.memory_space<vmem_shared>>
        tpu.wait_indirect_dma semaphore(%run_scoped3A_26 : memref<!tpu.dma_semaphore, #tpu.memory_space<semaphore_mem>>) src(%arg7 : memref<80x128xf32, #tpu.memory_space<vmem>>) dst(%dma_wait3A_36 : memref<10000x128xf32, #tpu.memory_space<vmem_shared>>)
        tpu.yield
      }) : () -> ()
    } else {
    }
    %barrier3A_14 = arith.constant 0 : index
    tpu.barrier barrier_id(%barrier3A_14)
    %mul3A_15 = arith.constant 624 : i32
    %mul3A_16 = arith.muli %arg1, %mul3A_15 : i32
    %mul3A_17 = arith.constant 10000 : i32
    %mul3A_18 = arith.muli %arg0, %mul3A_17 : i32
    %mul3A_19 = arith.constant 624 : i32
    %mul3A_20 = arith.muli %arg1, %mul3A_19 : i32
    %add3A = arith.addi %mul3A_18, %mul3A_20 : i32
    "tpu.region"() ({
      %run_scoped3A = tpu.sem_alloc : memref<!tpu.dma_semaphore, #tpu.memory_space<semaphore_mem>>
      %dma_start3A = arith.constant 0 : i32
      %dma_start3A_26 = tpu.memref_slice %arg5[%add3A, %dma_start3A] : memref<20000x128xf32, #tpu.memory_space<hbm>> -> memref<624x128xf32, #tpu.memory_space<hbm>>
      %dma_start3A_27 = arith.constant 0 : i32
      %dma_start3A_28 = tpu.memref_slice %arg8[%mul3A_16, %dma_start3A_27] : memref<10000x128xf32, #tpu.memory_space<vmem_shared>> -> memref<624x128xf32, #tpu.memory_space<vmem_shared>>
      tpu.enqueue_dma source(%dma_start3A_28 : memref<624x128xf32, #tpu.memory_space<vmem_shared>>) target(%dma_start3A_26 : memref<624x128xf32, #tpu.memory_space<hbm>>) target_semaphore(%run_scoped3A : memref<!tpu.dma_semaphore, #tpu.memory_space<semaphore_mem>>)
      %dma_wait3A = arith.constant 0 : i32
      %dma_wait3A_29 = tpu.memref_slice %arg5[%add3A, %dma_wait3A] : memref<20000x128xf32, #tpu.memory_space<hbm>> -> memref<624x128xf32, #tpu.memory_space<hbm>>
      %dma_wait3A_30 = arith.constant 0 : i32
      %dma_wait3A_31 = tpu.memref_slice %arg8[%mul3A_16, %dma_wait3A_30] : memref<10000x128xf32, #tpu.memory_space<vmem_shared>> -> memref<624x128xf32, #tpu.memory_space<vmem_shared>>
      tpu.wait_dma2 semaphore(%run_scoped3A : memref<!tpu.dma_semaphore, #tpu.memory_space<semaphore_mem>>) src(%dma_wait3A_31 : memref<624x128xf32, #tpu.memory_space<vmem_shared>>) dst(%dma_wait3A_29 : memref<624x128xf32, #tpu.memory_space<hbm>>)
      tpu.yield
    }) : () -> ()
    %eq3A_21 = arith.constant 0 : i32
    %eq3A_22 = arith.cmpi eq, %arg1, %eq3A_21 : i32
    %convert_element_type3A_23 = arith.extui %eq3A_22 : i1 to i32
    %cond3A_24 = arith.constant 0 : i32
    %cond3A_25 = arith.cmpi ne, %convert_element_type3A_23, %cond3A_24 : i32
    scf.if %cond3A_25 {
      %mul3A_26 = arith.constant 10000 : i32
      %mul3A_27 = arith.muli %arg0, %mul3A_26 : i32
      %add3A_28 = arith.constant 9984 : i32
      %add3A_29 = arith.addi %mul3A_27, %add3A_28 : i32
      "tpu.region"() ({
        %run_scoped3A = tpu.sem_alloc : memref<!tpu.dma_semaphore, #tpu.memory_space<semaphore_mem>>
        %dma_start3A = arith.constant 0 : i32
        %dma_start3A_30 = tpu.memref_slice %arg5[%add3A_29, %dma_start3A] : memref<20000x128xf32, #tpu.memory_space<hbm>> -> memref<16x128xf32, #tpu.memory_space<hbm>>
        %dma_start3A_31 = arith.constant 9984 : i32
        %dma_start3A_32 = arith.constant 0 : i32
        %dma_start3A_33 = tpu.memref_slice %arg8[%dma_start3A_31, %dma_start3A_32] : memref<10000x128xf32, #tpu.memory_space<vmem_shared>> -> memref<16x128xf32, #tpu.memory_space<vmem_shared>>
        tpu.enqueue_dma source(%dma_start3A_33 : memref<16x128xf32, #tpu.memory_space<vmem_shared>>) target(%dma_start3A_30 : memref<16x128xf32, #tpu.memory_space<hbm>>) target_semaphore(%run_scoped3A : memref<!tpu.dma_semaphore, #tpu.memory_space<semaphore_mem>>)
        %dma_wait3A = arith.constant 0 : i32
        %dma_wait3A_34 = tpu.memref_slice %arg5[%add3A_29, %dma_wait3A] : memref<20000x128xf32, #tpu.memory_space<hbm>> -> memref<16x128xf32, #tpu.memory_space<hbm>>
        %dma_wait3A_35 = arith.constant 9984 : i32
        %dma_wait3A_36 = arith.constant 0 : i32
        %dma_wait3A_37 = tpu.memref_slice %arg8[%dma_wait3A_35, %dma_wait3A_36] : memref<10000x128xf32, #tpu.memory_space<vmem_shared>> -> memref<16x128xf32, #tpu.memory_space<vmem_shared>>
        tpu.wait_dma2 semaphore(%run_scoped3A : memref<!tpu.dma_semaphore, #tpu.memory_space<semaphore_mem>>) src(%dma_wait3A_37 : memref<16x128xf32, #tpu.memory_space<vmem_shared>>) dst(%dma_wait3A_34 : memref<16x128xf32, #tpu.memory_space<hbm>>)
        tpu.yield
      }) : () -> ()
    } else {
    }
    return
  }
}

#map = affine_map<(d0, d1) -> (0, 0)>
#map1 = affine_map<(d0, d1) -> (0, 0, 0, 0, 0)>
#map2 = affine_map<(d0, d1) -> (0, 0, 0, 0)>
module attributes {stable_mosaic.version = 14 : i64} {
  func.func @_agg_body(%arg0: i32, %arg1: i32, %arg2: memref<20000x128xf32, #tpu.memory_space<hbm>>, %arg3: memref<2x16x5x25x80xi32, #tpu.memory_space<hbm>>, %arg4: memref<16x5x25x80xi32, #tpu.memory_space<hbm>>, %arg5: memref<20000x128xf32, #tpu.memory_space<hbm>>, %arg6: memref<25x80xi32, #tpu.memory_space<vmem>>, %arg7: memref<25x80xi32, #tpu.memory_space<vmem>>, %arg8: memref<80x128xf32, #tpu.memory_space<vmem>>, %arg9: memref<80x128xf32, #tpu.memory_space<vmem>>, %arg10: memref<10000x128xf32, #tpu.memory_space<vmem_shared>>, %arg11: memref<!tpu.dma_semaphore, #tpu.memory_space<semaphore_mem>>, %arg12: memref<!tpu.dma_semaphore, #tpu.memory_space<semaphore_mem>>) attributes {dimension_semantics = [#tpu.dimension_semantics<core_parallel>, #tpu.dimension_semantics<subcore_parallel>], iteration_bounds = array<i64: 2, 16>, scalar_prefetch = 0 : i64, scratch_operands = 7 : i64, tpu.core_type = #tpu.core_type<sc_vector_subcore>, window_params = [{transform_indices = #map}, {transform_indices = #map1}, {transform_indices = #map2}, {transform_indices = #map}]} {
    %mul3A = arith.constant 10000 : i32
    %mul3A_0 = arith.muli %arg0, %mul3A : i32
    %mul3A_1 = arith.constant 624 : i32
    %mul3A_2 = arith.muli %arg1, %mul3A_1 : i32
    %add3A = arith.addi %mul3A_0, %mul3A_2 : i32
    %mul3A_3 = arith.constant 624 : i32
    %mul3A_4 = arith.muli %arg1, %mul3A_3 : i32
    "tpu.region"() ({
      %run_scoped3A = tpu.sem_alloc : memref<!tpu.dma_semaphore, #tpu.memory_space<semaphore_mem>>
      %dma_start3A = arith.constant 0 : i32
      %dma_start3A_24 = tpu.memref_slice %arg10[%mul3A_4, %dma_start3A] : memref<10000x128xf32, #tpu.memory_space<vmem_shared>> -> memref<624x128xf32, #tpu.memory_space<vmem_shared>>
      %dma_start3A_25 = arith.constant 0 : i32
      %dma_start3A_26 = tpu.memref_slice %arg2[%add3A, %dma_start3A_25] : memref<20000x128xf32, #tpu.memory_space<hbm>> -> memref<624x128xf32, #tpu.memory_space<hbm>>
      tpu.enqueue_dma source(%dma_start3A_26 : memref<624x128xf32, #tpu.memory_space<hbm>>) target(%dma_start3A_24 : memref<624x128xf32, #tpu.memory_space<vmem_shared>>) target_semaphore(%run_scoped3A : memref<!tpu.dma_semaphore, #tpu.memory_space<semaphore_mem>>)
      %dma_wait3A = arith.constant 0 : i32
      %dma_wait3A_27 = tpu.memref_slice %arg10[%mul3A_4, %dma_wait3A] : memref<10000x128xf32, #tpu.memory_space<vmem_shared>> -> memref<624x128xf32, #tpu.memory_space<vmem_shared>>
      %dma_wait3A_28 = arith.constant 0 : i32
      %dma_wait3A_29 = tpu.memref_slice %arg2[%add3A, %dma_wait3A_28] : memref<20000x128xf32, #tpu.memory_space<hbm>> -> memref<624x128xf32, #tpu.memory_space<hbm>>
      tpu.wait_dma2 semaphore(%run_scoped3A : memref<!tpu.dma_semaphore, #tpu.memory_space<semaphore_mem>>) src(%dma_wait3A_29 : memref<624x128xf32, #tpu.memory_space<hbm>>) dst(%dma_wait3A_27 : memref<624x128xf32, #tpu.memory_space<vmem_shared>>)
      tpu.yield
    }) : () -> ()
    %eq3A = arith.constant 0 : i32
    %eq3A_5 = arith.cmpi eq, %arg1, %eq3A : i32
    %convert_element_type3A = arith.extui %eq3A_5 : i1 to i32
    %cond3A = arith.constant 0 : i32
    %cond3A_6 = arith.cmpi ne, %convert_element_type3A, %cond3A : i32
    scf.if %cond3A_6 {
      %mul3A_24 = arith.constant 10000 : i32
      %mul3A_25 = arith.muli %arg0, %mul3A_24 : i32
      %add3A_26 = arith.constant 9984 : i32
      %add3A_27 = arith.addi %mul3A_25, %add3A_26 : i32
      "tpu.region"() ({
        %run_scoped3A = tpu.sem_alloc : memref<!tpu.dma_semaphore, #tpu.memory_space<semaphore_mem>>
        %dma_start3A = arith.constant 9984 : i32
        %dma_start3A_28 = arith.constant 0 : i32
        %dma_start3A_29 = tpu.memref_slice %arg10[%dma_start3A, %dma_start3A_28] : memref<10000x128xf32, #tpu.memory_space<vmem_shared>> -> memref<16x128xf32, #tpu.memory_space<vmem_shared>>
        %dma_start3A_30 = arith.constant 0 : i32
        %dma_start3A_31 = tpu.memref_slice %arg2[%add3A_27, %dma_start3A_30] : memref<20000x128xf32, #tpu.memory_space<hbm>> -> memref<16x128xf32, #tpu.memory_space<hbm>>
        tpu.enqueue_dma source(%dma_start3A_31 : memref<16x128xf32, #tpu.memory_space<hbm>>) target(%dma_start3A_29 : memref<16x128xf32, #tpu.memory_space<vmem_shared>>) target_semaphore(%run_scoped3A : memref<!tpu.dma_semaphore, #tpu.memory_space<semaphore_mem>>)
        %dma_wait3A = arith.constant 9984 : i32
        %dma_wait3A_32 = arith.constant 0 : i32
        %dma_wait3A_33 = tpu.memref_slice %arg10[%dma_wait3A, %dma_wait3A_32] : memref<10000x128xf32, #tpu.memory_space<vmem_shared>> -> memref<16x128xf32, #tpu.memory_space<vmem_shared>>
        %dma_wait3A_34 = arith.constant 0 : i32
        %dma_wait3A_35 = tpu.memref_slice %arg2[%add3A_27, %dma_wait3A_34] : memref<20000x128xf32, #tpu.memory_space<hbm>> -> memref<16x128xf32, #tpu.memory_space<hbm>>
        tpu.wait_dma2 semaphore(%run_scoped3A : memref<!tpu.dma_semaphore, #tpu.memory_space<semaphore_mem>>) src(%dma_wait3A_35 : memref<16x128xf32, #tpu.memory_space<hbm>>) dst(%dma_wait3A_33 : memref<16x128xf32, #tpu.memory_space<vmem_shared>>)
        tpu.yield
      }) : () -> ()
    } else {
    }
    %barrier3A = arith.constant 0 : index
    tpu.barrier barrier_id(%barrier3A)
    %scan3A = arith.constant 0 : i32
    %scan3A_7 = arith.constant 5 : i32
    %scan3A_8 = arith.addi %scan3A, %scan3A_7 : i32
    %scan3A_9 = arith.constant 1 : i32
    scf.for %scan3A_24 = %scan3A to %scan3A_8 step %scan3A_9  : i32 {
      %mul3A_25 = arith.constant 1 : i32
      %mul3A_26 = arith.muli %scan3A_24, %mul3A_25 : i32
      %add3A_27 = arith.constant 0 : i32
      %add3A_28 = arith.addi %add3A_27, %mul3A_26 : i32
      "tpu.region"() ({
        %run_scoped3A_46 = tpu.sem_alloc : memref<!tpu.dma_semaphore, #tpu.memory_space<semaphore_mem>>
        %dma_start3A_47 = arith.constant 0 : i32
        %dma_start3A_48 = arith.constant 0 : i32
        %dma_start3A_49 = tpu.memref_slice %arg3[%arg0, %arg1, %add3A_28, %dma_start3A_47, %dma_start3A_48] : memref<2x16x5x25x80xi32, #tpu.memory_space<hbm>> -> memref<1x1x1x25x80xi32, #tpu.memory_space<hbm>>
        %dma_start3A_50 = tpu.memref_squeeze %dma_start3A_49 : memref<1x1x1x25x80xi32, #tpu.memory_space<hbm>> -> memref<25x80xi32, #tpu.memory_space<hbm>>
        %dma_start3A_51 = arith.constant 0 : i32
        %dma_start3A_52 = arith.constant 0 : i32
        %dma_start3A_53 = tpu.memref_slice %arg3[%arg0, %arg1, %add3A_28, %dma_start3A_51, %dma_start3A_52] : memref<2x16x5x25x80xi32, #tpu.memory_space<hbm>> -> memref<1x1x1x25x80xi32, #tpu.memory_space<hbm>>
        %dma_start3A_54 = tpu.memref_squeeze %dma_start3A_53 : memref<1x1x1x25x80xi32, #tpu.memory_space<hbm>> -> memref<25x80xi32, #tpu.memory_space<hbm>>
        tpu.enqueue_dma source(%dma_start3A_54 : memref<25x80xi32, #tpu.memory_space<hbm>>) target(%arg6 : memref<25x80xi32, #tpu.memory_space<vmem>>) target_semaphore(%run_scoped3A_46 : memref<!tpu.dma_semaphore, #tpu.memory_space<semaphore_mem>>)
        %dma_wait3A_55 = arith.constant 0 : i32
        %dma_wait3A_56 = arith.constant 0 : i32
        %dma_wait3A_57 = tpu.memref_slice %arg3[%arg0, %arg1, %add3A_28, %dma_wait3A_55, %dma_wait3A_56] : memref<2x16x5x25x80xi32, #tpu.memory_space<hbm>> -> memref<1x1x1x25x80xi32, #tpu.memory_space<hbm>>
        %dma_wait3A_58 = tpu.memref_squeeze %dma_wait3A_57 : memref<1x1x1x25x80xi32, #tpu.memory_space<hbm>> -> memref<25x80xi32, #tpu.memory_space<hbm>>
        %dma_wait3A_59 = arith.constant 0 : i32
        %dma_wait3A_60 = arith.constant 0 : i32
        %dma_wait3A_61 = tpu.memref_slice %arg3[%arg0, %arg1, %add3A_28, %dma_wait3A_59, %dma_wait3A_60] : memref<2x16x5x25x80xi32, #tpu.memory_space<hbm>> -> memref<1x1x1x25x80xi32, #tpu.memory_space<hbm>>
        %dma_wait3A_62 = tpu.memref_squeeze %dma_wait3A_61 : memref<1x1x1x25x80xi32, #tpu.memory_space<hbm>> -> memref<25x80xi32, #tpu.memory_space<hbm>>
        tpu.wait_dma2 semaphore(%run_scoped3A_46 : memref<!tpu.dma_semaphore, #tpu.memory_space<semaphore_mem>>) src(%dma_wait3A_62 : memref<25x80xi32, #tpu.memory_space<hbm>>) dst(%arg6 : memref<25x80xi32, #tpu.memory_space<vmem>>)
        tpu.yield
      }) : () -> ()
      "tpu.region"() ({
        %run_scoped3A_46 = tpu.sem_alloc : memref<!tpu.dma_semaphore, #tpu.memory_space<semaphore_mem>>
        %dma_start3A_47 = arith.constant 0 : i32
        %dma_start3A_48 = arith.constant 0 : i32
        %dma_start3A_49 = tpu.memref_slice %arg4[%arg1, %add3A_28, %dma_start3A_47, %dma_start3A_48] : memref<16x5x25x80xi32, #tpu.memory_space<hbm>> -> memref<1x1x25x80xi32, #tpu.memory_space<hbm>>
        %dma_start3A_50 = tpu.memref_squeeze %dma_start3A_49 : memref<1x1x25x80xi32, #tpu.memory_space<hbm>> -> memref<25x80xi32, #tpu.memory_space<hbm>>
        %dma_start3A_51 = arith.constant 0 : i32
        %dma_start3A_52 = arith.constant 0 : i32
        %dma_start3A_53 = tpu.memref_slice %arg4[%arg1, %add3A_28, %dma_start3A_51, %dma_start3A_52] : memref<16x5x25x80xi32, #tpu.memory_space<hbm>> -> memref<1x1x25x80xi32, #tpu.memory_space<hbm>>
        %dma_start3A_54 = tpu.memref_squeeze %dma_start3A_53 : memref<1x1x25x80xi32, #tpu.memory_space<hbm>> -> memref<25x80xi32, #tpu.memory_space<hbm>>
        tpu.enqueue_dma source(%dma_start3A_54 : memref<25x80xi32, #tpu.memory_space<hbm>>) target(%arg7 : memref<25x80xi32, #tpu.memory_space<vmem>>) target_semaphore(%run_scoped3A_46 : memref<!tpu.dma_semaphore, #tpu.memory_space<semaphore_mem>>)
        %dma_wait3A_55 = arith.constant 0 : i32
        %dma_wait3A_56 = arith.constant 0 : i32
        %dma_wait3A_57 = tpu.memref_slice %arg4[%arg1, %add3A_28, %dma_wait3A_55, %dma_wait3A_56] : memref<16x5x25x80xi32, #tpu.memory_space<hbm>> -> memref<1x1x25x80xi32, #tpu.memory_space<hbm>>
        %dma_wait3A_58 = tpu.memref_squeeze %dma_wait3A_57 : memref<1x1x25x80xi32, #tpu.memory_space<hbm>> -> memref<25x80xi32, #tpu.memory_space<hbm>>
        %dma_wait3A_59 = arith.constant 0 : i32
        %dma_wait3A_60 = arith.constant 0 : i32
        %dma_wait3A_61 = tpu.memref_slice %arg4[%arg1, %add3A_28, %dma_wait3A_59, %dma_wait3A_60] : memref<16x5x25x80xi32, #tpu.memory_space<hbm>> -> memref<1x1x25x80xi32, #tpu.memory_space<hbm>>
        %dma_wait3A_62 = tpu.memref_squeeze %dma_wait3A_61 : memref<1x1x25x80xi32, #tpu.memory_space<hbm>> -> memref<25x80xi32, #tpu.memory_space<hbm>>
        tpu.wait_dma2 semaphore(%run_scoped3A_46 : memref<!tpu.dma_semaphore, #tpu.memory_space<semaphore_mem>>) src(%dma_wait3A_62 : memref<25x80xi32, #tpu.memory_space<hbm>>) dst(%arg7 : memref<25x80xi32, #tpu.memory_space<vmem>>)
        tpu.yield
      }) : () -> ()
      %dma_start3A = arith.constant 0 : i32
      %dma_start3A_29 = arith.constant 0 : i32
      %dma_start3A_30 = tpu.memref_slice %arg6[%dma_start3A, %dma_start3A_29] : memref<25x80xi32, #tpu.memory_space<vmem>> -> memref<1x80xi32, #tpu.memory_space<vmem>>
      %dma_start3A_31 = tpu.memref_squeeze %dma_start3A_30 : memref<1x80xi32, #tpu.memory_space<vmem>> -> memref<80xi32, #tpu.memory_space<vmem>>
      %dma_start3A_32 = arith.constant 0 : i32
      %dma_start3A_33 = arith.constant 0 : i32
      %dma_start3A_34 = tpu.memref_slice %arg2[%dma_start3A_32, %dma_start3A_33] : memref<20000x128xf32, #tpu.memory_space<hbm>> -> memref<20000x128xf32, #tpu.memory_space<hbm>>
      tpu.enqueue_indirect_dma source(%dma_start3A_34 : memref<20000x128xf32, #tpu.memory_space<hbm>>) target(%arg8 : memref<80x128xf32, #tpu.memory_space<vmem>>) offsets(%dma_start3A_31 : memref<80xi32, #tpu.memory_space<vmem>>) semaphore(%arg11 : memref<!tpu.dma_semaphore, #tpu.memory_space<semaphore_mem>>)
      %scan3A_35 = arith.constant 0 : i32
      %scan3A_36 = arith.constant 12 : i32
      %scan3A_37 = arith.addi %scan3A_35, %scan3A_36 : i32
      %scan3A_38 = arith.constant 1 : i32
      scf.for %scan3A_46 = %scan3A_35 to %scan3A_37 step %scan3A_38  : i32 {
        %mul3A_47 = arith.constant 1 : i32
        %mul3A_48 = arith.muli %scan3A_46, %mul3A_47 : i32
        %add3A_49 = arith.constant 0 : i32
        %add3A_50 = arith.addi %add3A_49, %mul3A_48 : i32
        %mul3A_51 = arith.constant 2 : i32
        %mul3A_52 = arith.muli %mul3A_51, %add3A_50 : i32
        %add3A_53 = arith.constant 1 : i32
        %add3A_54 = arith.addi %mul3A_52, %add3A_53 : i32
        %dma_start3A_55 = arith.constant 0 : i32
        %dma_start3A_56 = tpu.memref_slice %arg6[%add3A_54, %dma_start3A_55] : memref<25x80xi32, #tpu.memory_space<vmem>> -> memref<1x80xi32, #tpu.memory_space<vmem>>
        %dma_start3A_57 = tpu.memref_squeeze %dma_start3A_56 : memref<1x80xi32, #tpu.memory_space<vmem>> -> memref<80xi32, #tpu.memory_space<vmem>>
        %dma_start3A_58 = arith.constant 0 : i32
        %dma_start3A_59 = arith.constant 0 : i32
        %dma_start3A_60 = tpu.memref_slice %arg2[%dma_start3A_58, %dma_start3A_59] : memref<20000x128xf32, #tpu.memory_space<hbm>> -> memref<20000x128xf32, #tpu.memory_space<hbm>>
        tpu.enqueue_indirect_dma source(%dma_start3A_60 : memref<20000x128xf32, #tpu.memory_space<hbm>>) target(%arg9 : memref<80x128xf32, #tpu.memory_space<vmem>>) offsets(%dma_start3A_57 : memref<80xi32, #tpu.memory_space<vmem>>) semaphore(%arg12 : memref<!tpu.dma_semaphore, #tpu.memory_space<semaphore_mem>>)
        %dma_wait3A_61 = arith.constant 0 : i32
        %dma_wait3A_62 = tpu.memref_slice %arg6[%mul3A_52, %dma_wait3A_61] : memref<25x80xi32, #tpu.memory_space<vmem>> -> memref<1x80xi32, #tpu.memory_space<vmem>>
        %dma_wait3A_63 = tpu.memref_squeeze %dma_wait3A_62 : memref<1x80xi32, #tpu.memory_space<vmem>> -> memref<80xi32, #tpu.memory_space<vmem>>
        %dma_wait3A_64 = arith.constant 0 : i32
        %dma_wait3A_65 = arith.constant 0 : i32
        %dma_wait3A_66 = tpu.memref_slice %arg2[%dma_wait3A_64, %dma_wait3A_65] : memref<20000x128xf32, #tpu.memory_space<hbm>> -> memref<20000x128xf32, #tpu.memory_space<hbm>>
        tpu.wait_indirect_dma semaphore(%arg11 : memref<!tpu.dma_semaphore, #tpu.memory_space<semaphore_mem>>) src(%dma_wait3A_66 : memref<20000x128xf32, #tpu.memory_space<hbm>>) dst(%arg8 : memref<80x128xf32, #tpu.memory_space<vmem>>)
        "tpu.region"() ({
          %run_scoped3A_85 = tpu.sem_alloc : memref<!tpu.dma_semaphore, #tpu.memory_space<semaphore_mem>>
          %dma_start3A_86 = arith.constant 0 : i32
          %dma_start3A_87 = tpu.memref_slice %arg7[%mul3A_52, %dma_start3A_86] : memref<25x80xi32, #tpu.memory_space<vmem>> -> memref<1x80xi32, #tpu.memory_space<vmem>>
          %dma_start3A_88 = tpu.memref_squeeze %dma_start3A_87 : memref<1x80xi32, #tpu.memory_space<vmem>> -> memref<80xi32, #tpu.memory_space<vmem>>
          %dma_start3A_89 = arith.constant 0 : i32
          %dma_start3A_90 = arith.constant 0 : i32
          %dma_start3A_91 = tpu.memref_slice %arg10[%dma_start3A_89, %dma_start3A_90] : memref<10000x128xf32, #tpu.memory_space<vmem_shared>> -> memref<10000x128xf32, #tpu.memory_space<vmem_shared>>
          tpu.enqueue_indirect_dma source(%arg8 : memref<80x128xf32, #tpu.memory_space<vmem>>) target(%dma_start3A_91 : memref<10000x128xf32, #tpu.memory_space<vmem_shared>>) offsets(%dma_start3A_88 : memref<80xi32, #tpu.memory_space<vmem>>) semaphore(%run_scoped3A_85 : memref<!tpu.dma_semaphore, #tpu.memory_space<semaphore_mem>>) {add = true}
          %dma_wait3A_92 = arith.constant 0 : i32
          %dma_wait3A_93 = tpu.memref_slice %arg7[%mul3A_52, %dma_wait3A_92] : memref<25x80xi32, #tpu.memory_space<vmem>> -> memref<1x80xi32, #tpu.memory_space<vmem>>
          %dma_wait3A_94 = tpu.memref_squeeze %dma_wait3A_93 : memref<1x80xi32, #tpu.memory_space<vmem>> -> memref<80xi32, #tpu.memory_space<vmem>>
          %dma_wait3A_95 = arith.constant 0 : i32
          %dma_wait3A_96 = arith.constant 0 : i32
          %dma_wait3A_97 = tpu.memref_slice %arg10[%dma_wait3A_95, %dma_wait3A_96] : memref<10000x128xf32, #tpu.memory_space<vmem_shared>> -> memref<10000x128xf32, #tpu.memory_space<vmem_shared>>
          tpu.wait_indirect_dma semaphore(%run_scoped3A_85 : memref<!tpu.dma_semaphore, #tpu.memory_space<semaphore_mem>>) src(%arg8 : memref<80x128xf32, #tpu.memory_space<vmem>>) dst(%dma_wait3A_97 : memref<10000x128xf32, #tpu.memory_space<vmem_shared>>)
          tpu.yield
        }) : () -> ()
        %add3A_67 = arith.constant 2 : i32
        %add3A_68 = arith.addi %mul3A_52, %add3A_67 : i32
        %dma_start3A_69 = arith.constant 0 : i32
        %dma_start3A_70 = tpu.memref_slice %arg6[%add3A_68, %dma_start3A_69] : memref<25x80xi32, #tpu.memory_space<vmem>> -> memref<1x80xi32, #tpu.memory_space<vmem>>
        %dma_start3A_71 = tpu.memref_squeeze %dma_start3A_70 : memref<1x80xi32, #tpu.memory_space<vmem>> -> memref<80xi32, #tpu.memory_space<vmem>>
        %dma_start3A_72 = arith.constant 0 : i32
        %dma_start3A_73 = arith.constant 0 : i32
        %dma_start3A_74 = tpu.memref_slice %arg2[%dma_start3A_72, %dma_start3A_73] : memref<20000x128xf32, #tpu.memory_space<hbm>> -> memref<20000x128xf32, #tpu.memory_space<hbm>>
        tpu.enqueue_indirect_dma source(%dma_start3A_74 : memref<20000x128xf32, #tpu.memory_space<hbm>>) target(%arg8 : memref<80x128xf32, #tpu.memory_space<vmem>>) offsets(%dma_start3A_71 : memref<80xi32, #tpu.memory_space<vmem>>) semaphore(%arg11 : memref<!tpu.dma_semaphore, #tpu.memory_space<semaphore_mem>>)
        %add3A_75 = arith.constant 1 : i32
        %add3A_76 = arith.addi %mul3A_52, %add3A_75 : i32
        %dma_wait3A_77 = arith.constant 0 : i32
        %dma_wait3A_78 = tpu.memref_slice %arg6[%add3A_76, %dma_wait3A_77] : memref<25x80xi32, #tpu.memory_space<vmem>> -> memref<1x80xi32, #tpu.memory_space<vmem>>
        %dma_wait3A_79 = tpu.memref_squeeze %dma_wait3A_78 : memref<1x80xi32, #tpu.memory_space<vmem>> -> memref<80xi32, #tpu.memory_space<vmem>>
        %dma_wait3A_80 = arith.constant 0 : i32
        %dma_wait3A_81 = arith.constant 0 : i32
        %dma_wait3A_82 = tpu.memref_slice %arg2[%dma_wait3A_80, %dma_wait3A_81] : memref<20000x128xf32, #tpu.memory_space<hbm>> -> memref<20000x128xf32, #tpu.memory_space<hbm>>
        tpu.wait_indirect_dma semaphore(%arg12 : memref<!tpu.dma_semaphore, #tpu.memory_space<semaphore_mem>>) src(%dma_wait3A_82 : memref<20000x128xf32, #tpu.memory_space<hbm>>) dst(%arg9 : memref<80x128xf32, #tpu.memory_space<vmem>>)
        %add3A_83 = arith.constant 1 : i32
        %add3A_84 = arith.addi %mul3A_52, %add3A_83 : i32
        "tpu.region"() ({
          %run_scoped3A_85 = tpu.sem_alloc : memref<!tpu.dma_semaphore, #tpu.memory_space<semaphore_mem>>
          %dma_start3A_86 = arith.constant 0 : i32
          %dma_start3A_87 = tpu.memref_slice %arg7[%add3A_84, %dma_start3A_86] : memref<25x80xi32, #tpu.memory_space<vmem>> -> memref<1x80xi32, #tpu.memory_space<vmem>>
          %dma_start3A_88 = tpu.memref_squeeze %dma_start3A_87 : memref<1x80xi32, #tpu.memory_space<vmem>> -> memref<80xi32, #tpu.memory_space<vmem>>
          %dma_start3A_89 = arith.constant 0 : i32
          %dma_start3A_90 = arith.constant 0 : i32
          %dma_start3A_91 = tpu.memref_slice %arg10[%dma_start3A_89, %dma_start3A_90] : memref<10000x128xf32, #tpu.memory_space<vmem_shared>> -> memref<10000x128xf32, #tpu.memory_space<vmem_shared>>
          tpu.enqueue_indirect_dma source(%arg9 : memref<80x128xf32, #tpu.memory_space<vmem>>) target(%dma_start3A_91 : memref<10000x128xf32, #tpu.memory_space<vmem_shared>>) offsets(%dma_start3A_88 : memref<80xi32, #tpu.memory_space<vmem>>) semaphore(%run_scoped3A_85 : memref<!tpu.dma_semaphore, #tpu.memory_space<semaphore_mem>>) {add = true}
          %dma_wait3A_92 = arith.constant 0 : i32
          %dma_wait3A_93 = tpu.memref_slice %arg7[%add3A_84, %dma_wait3A_92] : memref<25x80xi32, #tpu.memory_space<vmem>> -> memref<1x80xi32, #tpu.memory_space<vmem>>
          %dma_wait3A_94 = tpu.memref_squeeze %dma_wait3A_93 : memref<1x80xi32, #tpu.memory_space<vmem>> -> memref<80xi32, #tpu.memory_space<vmem>>
          %dma_wait3A_95 = arith.constant 0 : i32
          %dma_wait3A_96 = arith.constant 0 : i32
          %dma_wait3A_97 = tpu.memref_slice %arg10[%dma_wait3A_95, %dma_wait3A_96] : memref<10000x128xf32, #tpu.memory_space<vmem_shared>> -> memref<10000x128xf32, #tpu.memory_space<vmem_shared>>
          tpu.wait_indirect_dma semaphore(%run_scoped3A_85 : memref<!tpu.dma_semaphore, #tpu.memory_space<semaphore_mem>>) src(%arg9 : memref<80x128xf32, #tpu.memory_space<vmem>>) dst(%dma_wait3A_97 : memref<10000x128xf32, #tpu.memory_space<vmem_shared>>)
          tpu.yield
        }) : () -> ()
      }
      %scan3A_39 = arith.constant 12 : i32
      %dma_wait3A = arith.constant 24 : i32
      %dma_wait3A_40 = arith.constant 0 : i32
      %dma_wait3A_41 = tpu.memref_slice %arg6[%dma_wait3A, %dma_wait3A_40] : memref<25x80xi32, #tpu.memory_space<vmem>> -> memref<1x80xi32, #tpu.memory_space<vmem>>
      %dma_wait3A_42 = tpu.memref_squeeze %dma_wait3A_41 : memref<1x80xi32, #tpu.memory_space<vmem>> -> memref<80xi32, #tpu.memory_space<vmem>>
      %dma_wait3A_43 = arith.constant 0 : i32
      %dma_wait3A_44 = arith.constant 0 : i32
      %dma_wait3A_45 = tpu.memref_slice %arg2[%dma_wait3A_43, %dma_wait3A_44] : memref<20000x128xf32, #tpu.memory_space<hbm>> -> memref<20000x128xf32, #tpu.memory_space<hbm>>
      tpu.wait_indirect_dma semaphore(%arg11 : memref<!tpu.dma_semaphore, #tpu.memory_space<semaphore_mem>>) src(%dma_wait3A_45 : memref<20000x128xf32, #tpu.memory_space<hbm>>) dst(%arg8 : memref<80x128xf32, #tpu.memory_space<vmem>>)
      %run_scoped3A = arith.constant 24 : i32
      "tpu.region"() ({
        %run_scoped3A_46 = tpu.sem_alloc : memref<!tpu.dma_semaphore, #tpu.memory_space<semaphore_mem>>
        %dma_start3A_47 = arith.constant 0 : i32
        %dma_start3A_48 = tpu.memref_slice %arg7[%run_scoped3A, %dma_start3A_47] : memref<25x80xi32, #tpu.memory_space<vmem>> -> memref<1x80xi32, #tpu.memory_space<vmem>>
        %dma_start3A_49 = tpu.memref_squeeze %dma_start3A_48 : memref<1x80xi32, #tpu.memory_space<vmem>> -> memref<80xi32, #tpu.memory_space<vmem>>
        %dma_start3A_50 = arith.constant 0 : i32
        %dma_start3A_51 = arith.constant 0 : i32
        %dma_start3A_52 = tpu.memref_slice %arg10[%dma_start3A_50, %dma_start3A_51] : memref<10000x128xf32, #tpu.memory_space<vmem_shared>> -> memref<10000x128xf32, #tpu.memory_space<vmem_shared>>
        tpu.enqueue_indirect_dma source(%arg8 : memref<80x128xf32, #tpu.memory_space<vmem>>) target(%dma_start3A_52 : memref<10000x128xf32, #tpu.memory_space<vmem_shared>>) offsets(%dma_start3A_49 : memref<80xi32, #tpu.memory_space<vmem>>) semaphore(%run_scoped3A_46 : memref<!tpu.dma_semaphore, #tpu.memory_space<semaphore_mem>>) {add = true}
        %dma_wait3A_53 = arith.constant 0 : i32
        %dma_wait3A_54 = tpu.memref_slice %arg7[%run_scoped3A, %dma_wait3A_53] : memref<25x80xi32, #tpu.memory_space<vmem>> -> memref<1x80xi32, #tpu.memory_space<vmem>>
        %dma_wait3A_55 = tpu.memref_squeeze %dma_wait3A_54 : memref<1x80xi32, #tpu.memory_space<vmem>> -> memref<80xi32, #tpu.memory_space<vmem>>
        %dma_wait3A_56 = arith.constant 0 : i32
        %dma_wait3A_57 = arith.constant 0 : i32
        %dma_wait3A_58 = tpu.memref_slice %arg10[%dma_wait3A_56, %dma_wait3A_57] : memref<10000x128xf32, #tpu.memory_space<vmem_shared>> -> memref<10000x128xf32, #tpu.memory_space<vmem_shared>>
        tpu.wait_indirect_dma semaphore(%run_scoped3A_46 : memref<!tpu.dma_semaphore, #tpu.memory_space<semaphore_mem>>) src(%arg8 : memref<80x128xf32, #tpu.memory_space<vmem>>) dst(%dma_wait3A_58 : memref<10000x128xf32, #tpu.memory_space<vmem_shared>>)
        tpu.yield
      }) : () -> ()
    }
    %scan3A_10 = arith.constant 5 : i32
    %barrier3A_11 = arith.constant 0 : index
    tpu.barrier barrier_id(%barrier3A_11)
    %mul3A_12 = arith.constant 624 : i32
    %mul3A_13 = arith.muli %arg1, %mul3A_12 : i32
    %mul3A_14 = arith.constant 10000 : i32
    %mul3A_15 = arith.muli %arg0, %mul3A_14 : i32
    %mul3A_16 = arith.constant 624 : i32
    %mul3A_17 = arith.muli %arg1, %mul3A_16 : i32
    %add3A_18 = arith.addi %mul3A_15, %mul3A_17 : i32
    "tpu.region"() ({
      %run_scoped3A = tpu.sem_alloc : memref<!tpu.dma_semaphore, #tpu.memory_space<semaphore_mem>>
      %dma_start3A = arith.constant 0 : i32
      %dma_start3A_24 = tpu.memref_slice %arg5[%add3A_18, %dma_start3A] : memref<20000x128xf32, #tpu.memory_space<hbm>> -> memref<624x128xf32, #tpu.memory_space<hbm>>
      %dma_start3A_25 = arith.constant 0 : i32
      %dma_start3A_26 = tpu.memref_slice %arg10[%mul3A_13, %dma_start3A_25] : memref<10000x128xf32, #tpu.memory_space<vmem_shared>> -> memref<624x128xf32, #tpu.memory_space<vmem_shared>>
      tpu.enqueue_dma source(%dma_start3A_26 : memref<624x128xf32, #tpu.memory_space<vmem_shared>>) target(%dma_start3A_24 : memref<624x128xf32, #tpu.memory_space<hbm>>) target_semaphore(%run_scoped3A : memref<!tpu.dma_semaphore, #tpu.memory_space<semaphore_mem>>)
      %dma_wait3A = arith.constant 0 : i32
      %dma_wait3A_27 = tpu.memref_slice %arg5[%add3A_18, %dma_wait3A] : memref<20000x128xf32, #tpu.memory_space<hbm>> -> memref<624x128xf32, #tpu.memory_space<hbm>>
      %dma_wait3A_28 = arith.constant 0 : i32
      %dma_wait3A_29 = tpu.memref_slice %arg10[%mul3A_13, %dma_wait3A_28] : memref<10000x128xf32, #tpu.memory_space<vmem_shared>> -> memref<624x128xf32, #tpu.memory_space<vmem_shared>>
      tpu.wait_dma2 semaphore(%run_scoped3A : memref<!tpu.dma_semaphore, #tpu.memory_space<semaphore_mem>>) src(%dma_wait3A_29 : memref<624x128xf32, #tpu.memory_space<vmem_shared>>) dst(%dma_wait3A_27 : memref<624x128xf32, #tpu.memory_space<hbm>>)
      tpu.yield
    }) : () -> ()
    %eq3A_19 = arith.constant 0 : i32
    %eq3A_20 = arith.cmpi eq, %arg1, %eq3A_19 : i32
    %convert_element_type3A_21 = arith.extui %eq3A_20 : i1 to i32
    %cond3A_22 = arith.constant 0 : i32
    %cond3A_23 = arith.cmpi ne, %convert_element_type3A_21, %cond3A_22 : i32
    scf.if %cond3A_23 {
      %mul3A_24 = arith.constant 10000 : i32
      %mul3A_25 = arith.muli %arg0, %mul3A_24 : i32
      %add3A_26 = arith.constant 9984 : i32
      %add3A_27 = arith.addi %mul3A_25, %add3A_26 : i32
      "tpu.region"() ({
        %run_scoped3A = tpu.sem_alloc : memref<!tpu.dma_semaphore, #tpu.memory_space<semaphore_mem>>
        %dma_start3A = arith.constant 0 : i32
        %dma_start3A_28 = tpu.memref_slice %arg5[%add3A_27, %dma_start3A] : memref<20000x128xf32, #tpu.memory_space<hbm>> -> memref<16x128xf32, #tpu.memory_space<hbm>>
        %dma_start3A_29 = arith.constant 9984 : i32
        %dma_start3A_30 = arith.constant 0 : i32
        %dma_start3A_31 = tpu.memref_slice %arg10[%dma_start3A_29, %dma_start3A_30] : memref<10000x128xf32, #tpu.memory_space<vmem_shared>> -> memref<16x128xf32, #tpu.memory_space<vmem_shared>>
        tpu.enqueue_dma source(%dma_start3A_31 : memref<16x128xf32, #tpu.memory_space<vmem_shared>>) target(%dma_start3A_28 : memref<16x128xf32, #tpu.memory_space<hbm>>) target_semaphore(%run_scoped3A : memref<!tpu.dma_semaphore, #tpu.memory_space<semaphore_mem>>)
        %dma_wait3A = arith.constant 0 : i32
        %dma_wait3A_32 = tpu.memref_slice %arg5[%add3A_27, %dma_wait3A] : memref<20000x128xf32, #tpu.memory_space<hbm>> -> memref<16x128xf32, #tpu.memory_space<hbm>>
        %dma_wait3A_33 = arith.constant 9984 : i32
        %dma_wait3A_34 = arith.constant 0 : i32
        %dma_wait3A_35 = tpu.memref_slice %arg10[%dma_wait3A_33, %dma_wait3A_34] : memref<10000x128xf32, #tpu.memory_space<vmem_shared>> -> memref<16x128xf32, #tpu.memory_space<vmem_shared>>
        tpu.wait_dma2 semaphore(%run_scoped3A : memref<!tpu.dma_semaphore, #tpu.memory_space<semaphore_mem>>) src(%dma_wait3A_35 : memref<16x128xf32, #tpu.memory_space<vmem_shared>>) dst(%dma_wait3A_32 : memref<16x128xf32, #tpu.memory_space<hbm>>)
        tpu.yield
      }) : () -> ()
    } else {
    }
    return
  }
}

#map = affine_map<(d0, d1) -> (0, 0)>
#map1 = affine_map<(d0, d1) -> (0, 0, 0, 0, 0)>
#map2 = affine_map<(d0, d1) -> (0, 0, 0, 0)>
module attributes {stable_mosaic.version = 14 : i64} {
  func.func @_agg_body(%arg0: i32, %arg1: i32, %arg2: memref<20000x128xf32, #tpu.memory_space<hbm>>, %arg3: memref<2x16x5x25x80xi32, #tpu.memory_space<hbm>>, %arg4: memref<16x5x25x80xi32, #tpu.memory_space<hbm>>, %arg5: memref<20000x128xf32, #tpu.memory_space<hbm>>, %arg6: memref<25x80xi32, #tpu.memory_space<vmem>>, %arg7: memref<25x80xi32, #tpu.memory_space<vmem>>, %arg8: memref<80x128xf32, #tpu.memory_space<vmem>>, %arg9: memref<80x128xf32, #tpu.memory_space<vmem>>, %arg10: memref<10000x128xf32, #tpu.memory_space<vmem_shared>>, %arg11: memref<!tpu.dma_semaphore, #tpu.memory_space<semaphore_mem>>, %arg12: memref<!tpu.dma_semaphore, #tpu.memory_space<semaphore_mem>>) attributes {dimension_semantics = [#tpu.dimension_semantics<core_parallel>, #tpu.dimension_semantics<subcore_parallel>], iteration_bounds = array<i64: 2, 16>, scalar_prefetch = 0 : i64, scratch_operands = 7 : i64, tpu.core_type = #tpu.core_type<sc_vector_subcore>, window_params = [{transform_indices = #map}, {transform_indices = #map1}, {transform_indices = #map2}, {transform_indices = #map}]} {
    %mul3A = arith.constant 10000 : i32
    %mul3A_0 = arith.muli %arg0, %mul3A : i32
    %mul3A_1 = arith.constant 624 : i32
    %mul3A_2 = arith.muli %arg1, %mul3A_1 : i32
    %add3A = arith.addi %mul3A_0, %mul3A_2 : i32
    %mul3A_3 = arith.constant 624 : i32
    %mul3A_4 = arith.muli %arg1, %mul3A_3 : i32
    "tpu.region"() ({
      %run_scoped3A = tpu.sem_alloc : memref<!tpu.dma_semaphore, #tpu.memory_space<semaphore_mem>>
      %dma_start3A = arith.constant 0 : i32
      %dma_start3A_24 = tpu.memref_slice %arg10[%mul3A_4, %dma_start3A] : memref<10000x128xf32, #tpu.memory_space<vmem_shared>> -> memref<624x128xf32, #tpu.memory_space<vmem_shared>>
      %dma_start3A_25 = arith.constant 0 : i32
      %dma_start3A_26 = tpu.memref_slice %arg2[%add3A, %dma_start3A_25] : memref<20000x128xf32, #tpu.memory_space<hbm>> -> memref<624x128xf32, #tpu.memory_space<hbm>>
      tpu.enqueue_dma source(%dma_start3A_26 : memref<624x128xf32, #tpu.memory_space<hbm>>) target(%dma_start3A_24 : memref<624x128xf32, #tpu.memory_space<vmem_shared>>) target_semaphore(%run_scoped3A : memref<!tpu.dma_semaphore, #tpu.memory_space<semaphore_mem>>)
      %dma_wait3A = arith.constant 0 : i32
      %dma_wait3A_27 = tpu.memref_slice %arg10[%mul3A_4, %dma_wait3A] : memref<10000x128xf32, #tpu.memory_space<vmem_shared>> -> memref<624x128xf32, #tpu.memory_space<vmem_shared>>
      %dma_wait3A_28 = arith.constant 0 : i32
      %dma_wait3A_29 = tpu.memref_slice %arg2[%add3A, %dma_wait3A_28] : memref<20000x128xf32, #tpu.memory_space<hbm>> -> memref<624x128xf32, #tpu.memory_space<hbm>>
      tpu.wait_dma2 semaphore(%run_scoped3A : memref<!tpu.dma_semaphore, #tpu.memory_space<semaphore_mem>>) src(%dma_wait3A_29 : memref<624x128xf32, #tpu.memory_space<hbm>>) dst(%dma_wait3A_27 : memref<624x128xf32, #tpu.memory_space<vmem_shared>>)
      tpu.yield
    }) : () -> ()
    %eq3A = arith.constant 0 : i32
    %eq3A_5 = arith.cmpi eq, %arg1, %eq3A : i32
    %convert_element_type3A = arith.extui %eq3A_5 : i1 to i32
    %cond3A = arith.constant 0 : i32
    %cond3A_6 = arith.cmpi ne, %convert_element_type3A, %cond3A : i32
    scf.if %cond3A_6 {
      %mul3A_24 = arith.constant 10000 : i32
      %mul3A_25 = arith.muli %arg0, %mul3A_24 : i32
      %add3A_26 = arith.constant 9984 : i32
      %add3A_27 = arith.addi %mul3A_25, %add3A_26 : i32
      "tpu.region"() ({
        %run_scoped3A = tpu.sem_alloc : memref<!tpu.dma_semaphore, #tpu.memory_space<semaphore_mem>>
        %dma_start3A = arith.constant 9984 : i32
        %dma_start3A_28 = arith.constant 0 : i32
        %dma_start3A_29 = tpu.memref_slice %arg10[%dma_start3A, %dma_start3A_28] : memref<10000x128xf32, #tpu.memory_space<vmem_shared>> -> memref<16x128xf32, #tpu.memory_space<vmem_shared>>
        %dma_start3A_30 = arith.constant 0 : i32
        %dma_start3A_31 = tpu.memref_slice %arg2[%add3A_27, %dma_start3A_30] : memref<20000x128xf32, #tpu.memory_space<hbm>> -> memref<16x128xf32, #tpu.memory_space<hbm>>
        tpu.enqueue_dma source(%dma_start3A_31 : memref<16x128xf32, #tpu.memory_space<hbm>>) target(%dma_start3A_29 : memref<16x128xf32, #tpu.memory_space<vmem_shared>>) target_semaphore(%run_scoped3A : memref<!tpu.dma_semaphore, #tpu.memory_space<semaphore_mem>>)
        %dma_wait3A = arith.constant 9984 : i32
        %dma_wait3A_32 = arith.constant 0 : i32
        %dma_wait3A_33 = tpu.memref_slice %arg10[%dma_wait3A, %dma_wait3A_32] : memref<10000x128xf32, #tpu.memory_space<vmem_shared>> -> memref<16x128xf32, #tpu.memory_space<vmem_shared>>
        %dma_wait3A_34 = arith.constant 0 : i32
        %dma_wait3A_35 = tpu.memref_slice %arg2[%add3A_27, %dma_wait3A_34] : memref<20000x128xf32, #tpu.memory_space<hbm>> -> memref<16x128xf32, #tpu.memory_space<hbm>>
        tpu.wait_dma2 semaphore(%run_scoped3A : memref<!tpu.dma_semaphore, #tpu.memory_space<semaphore_mem>>) src(%dma_wait3A_35 : memref<16x128xf32, #tpu.memory_space<hbm>>) dst(%dma_wait3A_33 : memref<16x128xf32, #tpu.memory_space<vmem_shared>>)
        tpu.yield
      }) : () -> ()
    } else {
    }
    %barrier3A = arith.constant 0 : index
    tpu.barrier barrier_id(%barrier3A)
    %scan3A = arith.constant 0 : i32
    %scan3A_7 = arith.constant 5 : i32
    %scan3A_8 = arith.addi %scan3A, %scan3A_7 : i32
    %scan3A_9 = arith.constant 1 : i32
    scf.for %scan3A_24 = %scan3A to %scan3A_8 step %scan3A_9  : i32 {
      %mul3A_25 = arith.constant 1 : i32
      %mul3A_26 = arith.muli %scan3A_24, %mul3A_25 : i32
      %add3A_27 = arith.constant 0 : i32
      %add3A_28 = arith.addi %add3A_27, %mul3A_26 : i32
      "tpu.region"() ({
        %run_scoped3A_46 = tpu.sem_alloc : memref<!tpu.dma_semaphore, #tpu.memory_space<semaphore_mem>>
        %dma_start3A_47 = arith.constant 0 : i32
        %dma_start3A_48 = arith.constant 0 : i32
        %dma_start3A_49 = tpu.memref_slice %arg3[%arg0, %arg1, %add3A_28, %dma_start3A_47, %dma_start3A_48] : memref<2x16x5x25x80xi32, #tpu.memory_space<hbm>> -> memref<1x1x1x25x80xi32, #tpu.memory_space<hbm>>
        %dma_start3A_50 = tpu.memref_squeeze %dma_start3A_49 : memref<1x1x1x25x80xi32, #tpu.memory_space<hbm>> -> memref<25x80xi32, #tpu.memory_space<hbm>>
        %dma_start3A_51 = arith.constant 0 : i32
        %dma_start3A_52 = arith.constant 0 : i32
        %dma_start3A_53 = tpu.memref_slice %arg3[%arg0, %arg1, %add3A_28, %dma_start3A_51, %dma_start3A_52] : memref<2x16x5x25x80xi32, #tpu.memory_space<hbm>> -> memref<1x1x1x25x80xi32, #tpu.memory_space<hbm>>
        %dma_start3A_54 = tpu.memref_squeeze %dma_start3A_53 : memref<1x1x1x25x80xi32, #tpu.memory_space<hbm>> -> memref<25x80xi32, #tpu.memory_space<hbm>>
        tpu.enqueue_dma source(%dma_start3A_54 : memref<25x80xi32, #tpu.memory_space<hbm>>) target(%arg6 : memref<25x80xi32, #tpu.memory_space<vmem>>) target_semaphore(%run_scoped3A_46 : memref<!tpu.dma_semaphore, #tpu.memory_space<semaphore_mem>>)
        %dma_wait3A_55 = arith.constant 0 : i32
        %dma_wait3A_56 = arith.constant 0 : i32
        %dma_wait3A_57 = tpu.memref_slice %arg3[%arg0, %arg1, %add3A_28, %dma_wait3A_55, %dma_wait3A_56] : memref<2x16x5x25x80xi32, #tpu.memory_space<hbm>> -> memref<1x1x1x25x80xi32, #tpu.memory_space<hbm>>
        %dma_wait3A_58 = tpu.memref_squeeze %dma_wait3A_57 : memref<1x1x1x25x80xi32, #tpu.memory_space<hbm>> -> memref<25x80xi32, #tpu.memory_space<hbm>>
        %dma_wait3A_59 = arith.constant 0 : i32
        %dma_wait3A_60 = arith.constant 0 : i32
        %dma_wait3A_61 = tpu.memref_slice %arg3[%arg0, %arg1, %add3A_28, %dma_wait3A_59, %dma_wait3A_60] : memref<2x16x5x25x80xi32, #tpu.memory_space<hbm>> -> memref<1x1x1x25x80xi32, #tpu.memory_space<hbm>>
        %dma_wait3A_62 = tpu.memref_squeeze %dma_wait3A_61 : memref<1x1x1x25x80xi32, #tpu.memory_space<hbm>> -> memref<25x80xi32, #tpu.memory_space<hbm>>
        tpu.wait_dma2 semaphore(%run_scoped3A_46 : memref<!tpu.dma_semaphore, #tpu.memory_space<semaphore_mem>>) src(%dma_wait3A_62 : memref<25x80xi32, #tpu.memory_space<hbm>>) dst(%arg6 : memref<25x80xi32, #tpu.memory_space<vmem>>)
        tpu.yield
      }) : () -> ()
      "tpu.region"() ({
        %run_scoped3A_46 = tpu.sem_alloc : memref<!tpu.dma_semaphore, #tpu.memory_space<semaphore_mem>>
        %dma_start3A_47 = arith.constant 0 : i32
        %dma_start3A_48 = arith.constant 0 : i32
        %dma_start3A_49 = tpu.memref_slice %arg4[%arg1, %add3A_28, %dma_start3A_47, %dma_start3A_48] : memref<16x5x25x80xi32, #tpu.memory_space<hbm>> -> memref<1x1x25x80xi32, #tpu.memory_space<hbm>>
        %dma_start3A_50 = tpu.memref_squeeze %dma_start3A_49 : memref<1x1x25x80xi32, #tpu.memory_space<hbm>> -> memref<25x80xi32, #tpu.memory_space<hbm>>
        %dma_start3A_51 = arith.constant 0 : i32
        %dma_start3A_52 = arith.constant 0 : i32
        %dma_start3A_53 = tpu.memref_slice %arg4[%arg1, %add3A_28, %dma_start3A_51, %dma_start3A_52] : memref<16x5x25x80xi32, #tpu.memory_space<hbm>> -> memref<1x1x25x80xi32, #tpu.memory_space<hbm>>
        %dma_start3A_54 = tpu.memref_squeeze %dma_start3A_53 : memref<1x1x25x80xi32, #tpu.memory_space<hbm>> -> memref<25x80xi32, #tpu.memory_space<hbm>>
        tpu.enqueue_dma source(%dma_start3A_54 : memref<25x80xi32, #tpu.memory_space<hbm>>) target(%arg7 : memref<25x80xi32, #tpu.memory_space<vmem>>) target_semaphore(%run_scoped3A_46 : memref<!tpu.dma_semaphore, #tpu.memory_space<semaphore_mem>>)
        %dma_wait3A_55 = arith.constant 0 : i32
        %dma_wait3A_56 = arith.constant 0 : i32
        %dma_wait3A_57 = tpu.memref_slice %arg4[%arg1, %add3A_28, %dma_wait3A_55, %dma_wait3A_56] : memref<16x5x25x80xi32, #tpu.memory_space<hbm>> -> memref<1x1x25x80xi32, #tpu.memory_space<hbm>>
        %dma_wait3A_58 = tpu.memref_squeeze %dma_wait3A_57 : memref<1x1x25x80xi32, #tpu.memory_space<hbm>> -> memref<25x80xi32, #tpu.memory_space<hbm>>
        %dma_wait3A_59 = arith.constant 0 : i32
        %dma_wait3A_60 = arith.constant 0 : i32
        %dma_wait3A_61 = tpu.memref_slice %arg4[%arg1, %add3A_28, %dma_wait3A_59, %dma_wait3A_60] : memref<16x5x25x80xi32, #tpu.memory_space<hbm>> -> memref<1x1x25x80xi32, #tpu.memory_space<hbm>>
        %dma_wait3A_62 = tpu.memref_squeeze %dma_wait3A_61 : memref<1x1x25x80xi32, #tpu.memory_space<hbm>> -> memref<25x80xi32, #tpu.memory_space<hbm>>
        tpu.wait_dma2 semaphore(%run_scoped3A_46 : memref<!tpu.dma_semaphore, #tpu.memory_space<semaphore_mem>>) src(%dma_wait3A_62 : memref<25x80xi32, #tpu.memory_space<hbm>>) dst(%arg7 : memref<25x80xi32, #tpu.memory_space<vmem>>)
        tpu.yield
      }) : () -> ()
      %dma_start3A = arith.constant 0 : i32
      %dma_start3A_29 = arith.constant 0 : i32
      %dma_start3A_30 = tpu.memref_slice %arg6[%dma_start3A, %dma_start3A_29] : memref<25x80xi32, #tpu.memory_space<vmem>> -> memref<1x80xi32, #tpu.memory_space<vmem>>
      %dma_start3A_31 = tpu.memref_squeeze %dma_start3A_30 : memref<1x80xi32, #tpu.memory_space<vmem>> -> memref<80xi32, #tpu.memory_space<vmem>>
      %dma_start3A_32 = arith.constant 0 : i32
      %dma_start3A_33 = arith.constant 0 : i32
      %dma_start3A_34 = tpu.memref_slice %arg2[%dma_start3A_32, %dma_start3A_33] : memref<20000x128xf32, #tpu.memory_space<hbm>> -> memref<20000x128xf32, #tpu.memory_space<hbm>>
      tpu.enqueue_indirect_dma source(%dma_start3A_34 : memref<20000x128xf32, #tpu.memory_space<hbm>>) target(%arg8 : memref<80x128xf32, #tpu.memory_space<vmem>>) offsets(%dma_start3A_31 : memref<80xi32, #tpu.memory_space<vmem>>) semaphore(%arg11 : memref<!tpu.dma_semaphore, #tpu.memory_space<semaphore_mem>>)
      %scan3A_35 = arith.constant 0 : i32
      %scan3A_36 = arith.constant 12 : i32
      %scan3A_37 = arith.addi %scan3A_35, %scan3A_36 : i32
      %scan3A_38 = arith.constant 1 : i32
      scf.for %scan3A_46 = %scan3A_35 to %scan3A_37 step %scan3A_38  : i32 {
        %mul3A_47 = arith.constant 1 : i32
        %mul3A_48 = arith.muli %scan3A_46, %mul3A_47 : i32
        %add3A_49 = arith.constant 0 : i32
        %add3A_50 = arith.addi %add3A_49, %mul3A_48 : i32
        %mul3A_51 = arith.constant 2 : i32
        %mul3A_52 = arith.muli %mul3A_51, %add3A_50 : i32
        %add3A_53 = arith.constant 1 : i32
        %add3A_54 = arith.addi %mul3A_52, %add3A_53 : i32
        %dma_start3A_55 = arith.constant 0 : i32
        %dma_start3A_56 = tpu.memref_slice %arg6[%add3A_54, %dma_start3A_55] : memref<25x80xi32, #tpu.memory_space<vmem>> -> memref<1x80xi32, #tpu.memory_space<vmem>>
        %dma_start3A_57 = tpu.memref_squeeze %dma_start3A_56 : memref<1x80xi32, #tpu.memory_space<vmem>> -> memref<80xi32, #tpu.memory_space<vmem>>
        %dma_start3A_58 = arith.constant 0 : i32
        %dma_start3A_59 = arith.constant 0 : i32
        %dma_start3A_60 = tpu.memref_slice %arg2[%dma_start3A_58, %dma_start3A_59] : memref<20000x128xf32, #tpu.memory_space<hbm>> -> memref<20000x128xf32, #tpu.memory_space<hbm>>
        tpu.enqueue_indirect_dma source(%dma_start3A_60 : memref<20000x128xf32, #tpu.memory_space<hbm>>) target(%arg9 : memref<80x128xf32, #tpu.memory_space<vmem>>) offsets(%dma_start3A_57 : memref<80xi32, #tpu.memory_space<vmem>>) semaphore(%arg12 : memref<!tpu.dma_semaphore, #tpu.memory_space<semaphore_mem>>)
        %dma_wait3A_61 = arith.constant 0 : i32
        %dma_wait3A_62 = tpu.memref_slice %arg6[%mul3A_52, %dma_wait3A_61] : memref<25x80xi32, #tpu.memory_space<vmem>> -> memref<1x80xi32, #tpu.memory_space<vmem>>
        %dma_wait3A_63 = tpu.memref_squeeze %dma_wait3A_62 : memref<1x80xi32, #tpu.memory_space<vmem>> -> memref<80xi32, #tpu.memory_space<vmem>>
        %dma_wait3A_64 = arith.constant 0 : i32
        %dma_wait3A_65 = arith.constant 0 : i32
        %dma_wait3A_66 = tpu.memref_slice %arg2[%dma_wait3A_64, %dma_wait3A_65] : memref<20000x128xf32, #tpu.memory_space<hbm>> -> memref<20000x128xf32, #tpu.memory_space<hbm>>
        tpu.wait_indirect_dma semaphore(%arg11 : memref<!tpu.dma_semaphore, #tpu.memory_space<semaphore_mem>>) src(%dma_wait3A_66 : memref<20000x128xf32, #tpu.memory_space<hbm>>) dst(%arg8 : memref<80x128xf32, #tpu.memory_space<vmem>>)
        "tpu.region"() ({
          %run_scoped3A_85 = tpu.sem_alloc : memref<!tpu.dma_semaphore, #tpu.memory_space<semaphore_mem>>
          %dma_start3A_86 = arith.constant 0 : i32
          %dma_start3A_87 = tpu.memref_slice %arg7[%mul3A_52, %dma_start3A_86] : memref<25x80xi32, #tpu.memory_space<vmem>> -> memref<1x80xi32, #tpu.memory_space<vmem>>
          %dma_start3A_88 = tpu.memref_squeeze %dma_start3A_87 : memref<1x80xi32, #tpu.memory_space<vmem>> -> memref<80xi32, #tpu.memory_space<vmem>>
          %dma_start3A_89 = arith.constant 0 : i32
          %dma_start3A_90 = arith.constant 0 : i32
          %dma_start3A_91 = tpu.memref_slice %arg10[%dma_start3A_89, %dma_start3A_90] : memref<10000x128xf32, #tpu.memory_space<vmem_shared>> -> memref<10000x128xf32, #tpu.memory_space<vmem_shared>>
          tpu.enqueue_indirect_dma source(%arg8 : memref<80x128xf32, #tpu.memory_space<vmem>>) target(%dma_start3A_91 : memref<10000x128xf32, #tpu.memory_space<vmem_shared>>) offsets(%dma_start3A_88 : memref<80xi32, #tpu.memory_space<vmem>>) semaphore(%run_scoped3A_85 : memref<!tpu.dma_semaphore, #tpu.memory_space<semaphore_mem>>) {add = true}
          %dma_wait3A_92 = arith.constant 0 : i32
          %dma_wait3A_93 = tpu.memref_slice %arg7[%mul3A_52, %dma_wait3A_92] : memref<25x80xi32, #tpu.memory_space<vmem>> -> memref<1x80xi32, #tpu.memory_space<vmem>>
          %dma_wait3A_94 = tpu.memref_squeeze %dma_wait3A_93 : memref<1x80xi32, #tpu.memory_space<vmem>> -> memref<80xi32, #tpu.memory_space<vmem>>
          %dma_wait3A_95 = arith.constant 0 : i32
          %dma_wait3A_96 = arith.constant 0 : i32
          %dma_wait3A_97 = tpu.memref_slice %arg10[%dma_wait3A_95, %dma_wait3A_96] : memref<10000x128xf32, #tpu.memory_space<vmem_shared>> -> memref<10000x128xf32, #tpu.memory_space<vmem_shared>>
          tpu.wait_indirect_dma semaphore(%run_scoped3A_85 : memref<!tpu.dma_semaphore, #tpu.memory_space<semaphore_mem>>) src(%arg8 : memref<80x128xf32, #tpu.memory_space<vmem>>) dst(%dma_wait3A_97 : memref<10000x128xf32, #tpu.memory_space<vmem_shared>>)
          tpu.yield
        }) : () -> ()
        %add3A_67 = arith.constant 2 : i32
        %add3A_68 = arith.addi %mul3A_52, %add3A_67 : i32
        %dma_start3A_69 = arith.constant 0 : i32
        %dma_start3A_70 = tpu.memref_slice %arg6[%add3A_68, %dma_start3A_69] : memref<25x80xi32, #tpu.memory_space<vmem>> -> memref<1x80xi32, #tpu.memory_space<vmem>>
        %dma_start3A_71 = tpu.memref_squeeze %dma_start3A_70 : memref<1x80xi32, #tpu.memory_space<vmem>> -> memref<80xi32, #tpu.memory_space<vmem>>
        %dma_start3A_72 = arith.constant 0 : i32
        %dma_start3A_73 = arith.constant 0 : i32
        %dma_start3A_74 = tpu.memref_slice %arg2[%dma_start3A_72, %dma_start3A_73] : memref<20000x128xf32, #tpu.memory_space<hbm>> -> memref<20000x128xf32, #tpu.memory_space<hbm>>
        tpu.enqueue_indirect_dma source(%dma_start3A_74 : memref<20000x128xf32, #tpu.memory_space<hbm>>) target(%arg8 : memref<80x128xf32, #tpu.memory_space<vmem>>) offsets(%dma_start3A_71 : memref<80xi32, #tpu.memory_space<vmem>>) semaphore(%arg11 : memref<!tpu.dma_semaphore, #tpu.memory_space<semaphore_mem>>)
        %add3A_75 = arith.constant 1 : i32
        %add3A_76 = arith.addi %mul3A_52, %add3A_75 : i32
        %dma_wait3A_77 = arith.constant 0 : i32
        %dma_wait3A_78 = tpu.memref_slice %arg6[%add3A_76, %dma_wait3A_77] : memref<25x80xi32, #tpu.memory_space<vmem>> -> memref<1x80xi32, #tpu.memory_space<vmem>>
        %dma_wait3A_79 = tpu.memref_squeeze %dma_wait3A_78 : memref<1x80xi32, #tpu.memory_space<vmem>> -> memref<80xi32, #tpu.memory_space<vmem>>
        %dma_wait3A_80 = arith.constant 0 : i32
        %dma_wait3A_81 = arith.constant 0 : i32
        %dma_wait3A_82 = tpu.memref_slice %arg2[%dma_wait3A_80, %dma_wait3A_81] : memref<20000x128xf32, #tpu.memory_space<hbm>> -> memref<20000x128xf32, #tpu.memory_space<hbm>>
        tpu.wait_indirect_dma semaphore(%arg12 : memref<!tpu.dma_semaphore, #tpu.memory_space<semaphore_mem>>) src(%dma_wait3A_82 : memref<20000x128xf32, #tpu.memory_space<hbm>>) dst(%arg9 : memref<80x128xf32, #tpu.memory_space<vmem>>)
        %add3A_83 = arith.constant 1 : i32
        %add3A_84 = arith.addi %mul3A_52, %add3A_83 : i32
        "tpu.region"() ({
          %run_scoped3A_85 = tpu.sem_alloc : memref<!tpu.dma_semaphore, #tpu.memory_space<semaphore_mem>>
          %dma_start3A_86 = arith.constant 0 : i32
          %dma_start3A_87 = tpu.memref_slice %arg7[%add3A_84, %dma_start3A_86] : memref<25x80xi32, #tpu.memory_space<vmem>> -> memref<1x80xi32, #tpu.memory_space<vmem>>
          %dma_start3A_88 = tpu.memref_squeeze %dma_start3A_87 : memref<1x80xi32, #tpu.memory_space<vmem>> -> memref<80xi32, #tpu.memory_space<vmem>>
          %dma_start3A_89 = arith.constant 0 : i32
          %dma_start3A_90 = arith.constant 0 : i32
          %dma_start3A_91 = tpu.memref_slice %arg10[%dma_start3A_89, %dma_start3A_90] : memref<10000x128xf32, #tpu.memory_space<vmem_shared>> -> memref<10000x128xf32, #tpu.memory_space<vmem_shared>>
          tpu.enqueue_indirect_dma source(%arg9 : memref<80x128xf32, #tpu.memory_space<vmem>>) target(%dma_start3A_91 : memref<10000x128xf32, #tpu.memory_space<vmem_shared>>) offsets(%dma_start3A_88 : memref<80xi32, #tpu.memory_space<vmem>>) semaphore(%run_scoped3A_85 : memref<!tpu.dma_semaphore, #tpu.memory_space<semaphore_mem>>) {add = true}
          %dma_wait3A_92 = arith.constant 0 : i32
          %dma_wait3A_93 = tpu.memref_slice %arg7[%add3A_84, %dma_wait3A_92] : memref<25x80xi32, #tpu.memory_space<vmem>> -> memref<1x80xi32, #tpu.memory_space<vmem>>
          %dma_wait3A_94 = tpu.memref_squeeze %dma_wait3A_93 : memref<1x80xi32, #tpu.memory_space<vmem>> -> memref<80xi32, #tpu.memory_space<vmem>>
          %dma_wait3A_95 = arith.constant 0 : i32
          %dma_wait3A_96 = arith.constant 0 : i32
          %dma_wait3A_97 = tpu.memref_slice %arg10[%dma_wait3A_95, %dma_wait3A_96] : memref<10000x128xf32, #tpu.memory_space<vmem_shared>> -> memref<10000x128xf32, #tpu.memory_space<vmem_shared>>
          tpu.wait_indirect_dma semaphore(%run_scoped3A_85 : memref<!tpu.dma_semaphore, #tpu.memory_space<semaphore_mem>>) src(%arg9 : memref<80x128xf32, #tpu.memory_space<vmem>>) dst(%dma_wait3A_97 : memref<10000x128xf32, #tpu.memory_space<vmem_shared>>)
          tpu.yield
        }) : () -> ()
      }
      %scan3A_39 = arith.constant 12 : i32
      %dma_wait3A = arith.constant 24 : i32
      %dma_wait3A_40 = arith.constant 0 : i32
      %dma_wait3A_41 = tpu.memref_slice %arg6[%dma_wait3A, %dma_wait3A_40] : memref<25x80xi32, #tpu.memory_space<vmem>> -> memref<1x80xi32, #tpu.memory_space<vmem>>
      %dma_wait3A_42 = tpu.memref_squeeze %dma_wait3A_41 : memref<1x80xi32, #tpu.memory_space<vmem>> -> memref<80xi32, #tpu.memory_space<vmem>>
      %dma_wait3A_43 = arith.constant 0 : i32
      %dma_wait3A_44 = arith.constant 0 : i32
      %dma_wait3A_45 = tpu.memref_slice %arg2[%dma_wait3A_43, %dma_wait3A_44] : memref<20000x128xf32, #tpu.memory_space<hbm>> -> memref<20000x128xf32, #tpu.memory_space<hbm>>
      tpu.wait_indirect_dma semaphore(%arg11 : memref<!tpu.dma_semaphore, #tpu.memory_space<semaphore_mem>>) src(%dma_wait3A_45 : memref<20000x128xf32, #tpu.memory_space<hbm>>) dst(%arg8 : memref<80x128xf32, #tpu.memory_space<vmem>>)
      %run_scoped3A = arith.constant 24 : i32
      "tpu.region"() ({
        %run_scoped3A_46 = tpu.sem_alloc : memref<!tpu.dma_semaphore, #tpu.memory_space<semaphore_mem>>
        %dma_start3A_47 = arith.constant 0 : i32
        %dma_start3A_48 = tpu.memref_slice %arg7[%run_scoped3A, %dma_start3A_47] : memref<25x80xi32, #tpu.memory_space<vmem>> -> memref<1x80xi32, #tpu.memory_space<vmem>>
        %dma_start3A_49 = tpu.memref_squeeze %dma_start3A_48 : memref<1x80xi32, #tpu.memory_space<vmem>> -> memref<80xi32, #tpu.memory_space<vmem>>
        %dma_start3A_50 = arith.constant 0 : i32
        %dma_start3A_51 = arith.constant 0 : i32
        %dma_start3A_52 = tpu.memref_slice %arg10[%dma_start3A_50, %dma_start3A_51] : memref<10000x128xf32, #tpu.memory_space<vmem_shared>> -> memref<10000x128xf32, #tpu.memory_space<vmem_shared>>
        tpu.enqueue_indirect_dma source(%arg8 : memref<80x128xf32, #tpu.memory_space<vmem>>) target(%dma_start3A_52 : memref<10000x128xf32, #tpu.memory_space<vmem_shared>>) offsets(%dma_start3A_49 : memref<80xi32, #tpu.memory_space<vmem>>) semaphore(%run_scoped3A_46 : memref<!tpu.dma_semaphore, #tpu.memory_space<semaphore_mem>>) {add = true}
        %dma_wait3A_53 = arith.constant 0 : i32
        %dma_wait3A_54 = tpu.memref_slice %arg7[%run_scoped3A, %dma_wait3A_53] : memref<25x80xi32, #tpu.memory_space<vmem>> -> memref<1x80xi32, #tpu.memory_space<vmem>>
        %dma_wait3A_55 = tpu.memref_squeeze %dma_wait3A_54 : memref<1x80xi32, #tpu.memory_space<vmem>> -> memref<80xi32, #tpu.memory_space<vmem>>
        %dma_wait3A_56 = arith.constant 0 : i32
        %dma_wait3A_57 = arith.constant 0 : i32
        %dma_wait3A_58 = tpu.memref_slice %arg10[%dma_wait3A_56, %dma_wait3A_57] : memref<10000x128xf32, #tpu.memory_space<vmem_shared>> -> memref<10000x128xf32, #tpu.memory_space<vmem_shared>>
        tpu.wait_indirect_dma semaphore(%run_scoped3A_46 : memref<!tpu.dma_semaphore, #tpu.memory_space<semaphore_mem>>) src(%arg8 : memref<80x128xf32, #tpu.memory_space<vmem>>) dst(%dma_wait3A_58 : memref<10000x128xf32, #tpu.memory_space<vmem_shared>>)
        tpu.yield
      }) : () -> ()
    }
    %scan3A_10 = arith.constant 5 : i32
    %barrier3A_11 = arith.constant 0 : index
    tpu.barrier barrier_id(%barrier3A_11)
    %mul3A_12 = arith.constant 624 : i32
    %mul3A_13 = arith.muli %arg1, %mul3A_12 : i32
    %mul3A_14 = arith.constant 10000 : i32
    %mul3A_15 = arith.muli %arg0, %mul3A_14 : i32
    %mul3A_16 = arith.constant 624 : i32
    %mul3A_17 = arith.muli %arg1, %mul3A_16 : i32
    %add3A_18 = arith.addi %mul3A_15, %mul3A_17 : i32
    "tpu.region"() ({
      %run_scoped3A = tpu.sem_alloc : memref<!tpu.dma_semaphore, #tpu.memory_space<semaphore_mem>>
      %dma_start3A = arith.constant 0 : i32
      %dma_start3A_24 = tpu.memref_slice %arg5[%add3A_18, %dma_start3A] : memref<20000x128xf32, #tpu.memory_space<hbm>> -> memref<624x128xf32, #tpu.memory_space<hbm>>
      %dma_start3A_25 = arith.constant 0 : i32
      %dma_start3A_26 = tpu.memref_slice %arg10[%mul3A_13, %dma_start3A_25] : memref<10000x128xf32, #tpu.memory_space<vmem_shared>> -> memref<624x128xf32, #tpu.memory_space<vmem_shared>>
      tpu.enqueue_dma source(%dma_start3A_26 : memref<624x128xf32, #tpu.memory_space<vmem_shared>>) target(%dma_start3A_24 : memref<624x128xf32, #tpu.memory_space<hbm>>) target_semaphore(%run_scoped3A : memref<!tpu.dma_semaphore, #tpu.memory_space<semaphore_mem>>)
      %dma_wait3A = arith.constant 0 : i32
      %dma_wait3A_27 = tpu.memref_slice %arg5[%add3A_18, %dma_wait3A] : memref<20000x128xf32, #tpu.memory_space<hbm>> -> memref<624x128xf32, #tpu.memory_space<hbm>>
      %dma_wait3A_28 = arith.constant 0 : i32
      %dma_wait3A_29 = tpu.memref_slice %arg10[%mul3A_13, %dma_wait3A_28] : memref<10000x128xf32, #tpu.memory_space<vmem_shared>> -> memref<624x128xf32, #tpu.memory_space<vmem_shared>>
      tpu.wait_dma2 semaphore(%run_scoped3A : memref<!tpu.dma_semaphore, #tpu.memory_space<semaphore_mem>>) src(%dma_wait3A_29 : memref<624x128xf32, #tpu.memory_space<vmem_shared>>) dst(%dma_wait3A_27 : memref<624x128xf32, #tpu.memory_space<hbm>>)
      tpu.yield
    }) : () -> ()
    %eq3A_19 = arith.constant 0 : i32
    %eq3A_20 = arith.cmpi eq, %arg1, %eq3A_19 : i32
    %convert_element_type3A_21 = arith.extui %eq3A_20 : i1 to i32
    %cond3A_22 = arith.constant 0 : i32
    %cond3A_23 = arith.cmpi ne, %convert_element_type3A_21, %cond3A_22 : i32
    scf.if %cond3A_23 {
      %mul3A_24 = arith.constant 10000 : i32
      %mul3A_25 = arith.muli %arg0, %mul3A_24 : i32
      %add3A_26 = arith.constant 9984 : i32
      %add3A_27 = arith.addi %mul3A_25, %add3A_26 : i32
      "tpu.region"() ({
        %run_scoped3A = tpu.sem_alloc : memref<!tpu.dma_semaphore, #tpu.memory_space<semaphore_mem>>
        %dma_start3A = arith.constant 0 : i32
        %dma_start3A_28 = tpu.memref_slice %arg5[%add3A_27, %dma_start3A] : memref<20000x128xf32, #tpu.memory_space<hbm>> -> memref<16x128xf32, #tpu.memory_space<hbm>>
        %dma_start3A_29 = arith.constant 9984 : i32
        %dma_start3A_30 = arith.constant 0 : i32
        %dma_start3A_31 = tpu.memref_slice %arg10[%dma_start3A_29, %dma_start3A_30] : memref<10000x128xf32, #tpu.memory_space<vmem_shared>> -> memref<16x128xf32, #tpu.memory_space<vmem_shared>>
        tpu.enqueue_dma source(%dma_start3A_31 : memref<16x128xf32, #tpu.memory_space<vmem_shared>>) target(%dma_start3A_28 : memref<16x128xf32, #tpu.memory_space<hbm>>) target_semaphore(%run_scoped3A : memref<!tpu.dma_semaphore, #tpu.memory_space<semaphore_mem>>)
        %dma_wait3A = arith.constant 0 : i32
        %dma_wait3A_32 = tpu.memref_slice %arg5[%add3A_27, %dma_wait3A] : memref<20000x128xf32, #tpu.memory_space<hbm>> -> memref<16x128xf32, #tpu.memory_space<hbm>>
        %dma_wait3A_33 = arith.constant 9984 : i32
        %dma_wait3A_34 = arith.constant 0 : i32
        %dma_wait3A_35 = tpu.memref_slice %arg10[%dma_wait3A_33, %dma_wait3A_34] : memref<10000x128xf32, #tpu.memory_space<vmem_shared>> -> memref<16x128xf32, #tpu.memory_space<vmem_shared>>
        tpu.wait_dma2 semaphore(%run_scoped3A : memref<!tpu.dma_semaphore, #tpu.memory_space<semaphore_mem>>) src(%dma_wait3A_35 : memref<16x128xf32, #tpu.memory_space<vmem_shared>>) dst(%dma_wait3A_32 : memref<16x128xf32, #tpu.memory_space<hbm>>)
        tpu.yield
      }) : () -> ()
    } else {
    }
    return
  }
}

module attributes {stable_mosaic.version = 14 : i64} {
  func.func @_tca_body(%arg0: i32, %arg1: i32, %arg2: memref<2000x256xf32, #tpu.memory_space<vmem>>, %arg3: memref<256x128xf32, #tpu.memory_space<vmem>>, %arg4: memref<2000x128xf32, #tpu.memory_space<vmem>>) attributes {dimension_semantics = [#tpu.dimension_semantics<arbitrary>, #tpu.dimension_semantics<arbitrary>], iteration_bounds = array<i64: 5, 2>, scalar_prefetch = 0 : i64, scratch_operands = 0 : i64, tpu.core_type = #tpu.core_type<tc>, window_params = [{transform_indices = @transform_0, window_bounds = array<i64: 2000, 256>}, {transform_indices = @transform_1, window_bounds = array<i64: 256, 128>}, {transform_indices = @transform_2, window_bounds = array<i64: 2000, 128>}]} {
    %get3A = arith.constant 0 : index
    %get3A_0 = arith.constant 0 : index
    %get3A_1 = vector.load %arg2[%get3A, %get3A_0] : memref<2000x256xf32, #tpu.memory_space<vmem>>, vector<2000x256xf32>
    %get3A_2 = arith.constant 0 : index
    %get3A_3 = arith.constant 0 : index
    %get3A_4 = vector.load %arg3[%get3A_2, %get3A_3] : memref<256x128xf32, #tpu.memory_space<vmem>>, vector<256x128xf32>
    %dot_general3A = arith.constant dense<0.000000e+00> : vector<2000x128xf32>
    %dot_general3A_5 = tpu.matmul %get3A_1, %get3A_4, %dot_general3A {dimension_numbers = #tpu.dot_dimension_numbers<[1], [0], [0], [1], [0, 0, 1, 1], [], []>, transpose_lhs_hint = false} : vector<2000x256xf32>, vector<256x128xf32>, vector<2000x128xf32> -> vector<2000x128xf32>
    %swap3A = arith.constant 0 : index
    %swap3A_6 = arith.constant 0 : index
    %swap3A_7 = vector.load %arg4[%swap3A, %swap3A_6] : memref<2000x128xf32, #tpu.memory_space<vmem>>, vector<2000x128xf32>
    tpu.vector_store %arg4[%swap3A, %swap3A_6], %dot_general3A_5 {strides = array<i32>} : memref<2000x128xf32, #tpu.memory_space<vmem>>, vector<2000x128xf32>,
    return
  }
  func.func @transform_0(%arg0: i32, %arg1: i32) -> (i32, i32) {
    %c0_i32 = arith.constant 0 : i32
    %c0_i32_0 = arith.constant 0 : i32
    return %arg0, %c0_i32 : i32, i32
  }
  func.func @transform_1(%arg0: i32, %arg1: i32) -> (i32, i32) {
    %c0_i32 = arith.constant 0 : i32
    %c0_i32_0 = arith.constant 0 : i32
    return %c0_i32, %arg1 : i32, i32
  }
  func.func @transform_2(%arg0: i32, %arg1: i32) -> (i32, i32) {
    %mul3A = arith.constant 5 : i32
    %mul3A_0 = arith.muli %arg1, %mul3A : i32
    %add3A = arith.addi %arg0, %mul3A_0 : i32
    %c0_i32 = arith.constant 0 : i32
    %c0_i32_1 = arith.constant 0 : i32
    return %add3A, %c0_i32 : i32, i32
  }
}

module attributes {stable_mosaic.version = 14 : i64} {
  func.func @_scale_body(%arg0: i32, %arg1: memref<2000x128xf32, #tpu.memory_space<vmem>>, %arg2: memref<2000x8xf32, #tpu.memory_space<vmem>>, %arg3: memref<2000x8xf32, #tpu.memory_space<vmem>>, %arg4: memref<2000x128xf32, #tpu.memory_space<vmem>>) attributes {dimension_semantics = [#tpu.dimension_semantics<arbitrary>], iteration_bounds = array<i64: 10>, scalar_prefetch = 0 : i64, scratch_operands = 0 : i64, tpu.core_type = #tpu.core_type<tc>, window_params = [{transform_indices = @transform_0, window_bounds = array<i64: 2000, 128>}, {transform_indices = @transform_1, window_bounds = array<i64: 2000, 8>}, {transform_indices = @transform_2, window_bounds = array<i64: 2000, 8>}, {transform_indices = @transform_3, window_bounds = array<i64: 2000, 128>}]} {
    %get3A = arith.constant 0 : index
    %get3A_0 = arith.constant 0 : index
    %get3A_1 = vector.load %arg1[%get3A, %get3A_0] : memref<2000x128xf32, #tpu.memory_space<vmem>>, vector<2000x128xf32>
    %get3A_2 = arith.constant 0 : index
    %get3A_3 = arith.constant 0 : index
    %get3A_4 = vector.load %arg2[%get3A_2, %get3A_3] : memref<2000x8xf32, #tpu.memory_space<vmem>>, vector<2000x1xf32>
    %add3A = arith.constant 1.000000e+00 : f32
    %add3A_5 = vector.broadcast %add3A : f32 to vector<2000x1xf32>
    %add3A_6 = arith.addf %add3A_5, %get3A_4 : vector<2000x1xf32>
    %get3A_7 = arith.constant 0 : index
    %get3A_8 = arith.constant 0 : index
    %get3A_9 = vector.load %arg3[%get3A_7, %get3A_8] : memref<2000x8xf32, #tpu.memory_space<vmem>>, vector<2000x1xf32>
    %add3A_10 = arith.addf %add3A_6, %get3A_9 : vector<2000x1xf32>
    %rsqrt3A = math.rsqrt %add3A_10 : vector<2000x1xf32>
    %mul3A = vector.broadcast %rsqrt3A : vector<2000x1xf32> to vector<2000x128xf32>
    %mul3A_11 = arith.mulf %get3A_1, %mul3A : vector<2000x128xf32>
    %swap3A = arith.constant 0 : index
    %swap3A_12 = arith.constant 0 : index
    %swap3A_13 = vector.load %arg4[%swap3A, %swap3A_12] : memref<2000x128xf32, #tpu.memory_space<vmem>>, vector<2000x128xf32>
    tpu.vector_store %arg4[%swap3A, %swap3A_12], %mul3A_11 {strides = array<i32>} : memref<2000x128xf32, #tpu.memory_space<vmem>>, vector<2000x128xf32>,
    return
  }
  func.func @transform_0(%arg0: i32) -> (i32, i32) {
    %c0_i32 = arith.constant 0 : i32
    %c0_i32_0 = arith.constant 0 : i32
    return %arg0, %c0_i32 : i32, i32
  }
  func.func @transform_1(%arg0: i32) -> (i32, i32) {
    %jit3A = arith.constant 5 : i32
    %eq3A = arith.constant 0 : i32
    %eq3A_0 = arith.cmpi eq, %jit3A, %eq3A : i32
    %jit3A_1 = arith.constant 1 : i32
    %select_n3A = arith.select %eq3A_0, %jit3A_1, %jit3A : i32
    %rem3A = arith.remsi %arg0, %select_n3A : i32
    %ne3A = arith.constant 0 : i32
    %ne3A_2 = arith.cmpi ne, %rem3A, %ne3A : i32
    %lt3A = arith.constant 0 : i32
    %lt3A_3 = arith.cmpi slt, %rem3A, %lt3A : i32
    %lt3A_4 = arith.constant 0 : i32
    %lt3A_5 = arith.cmpi slt, %select_n3A, %lt3A_4 : i32
    %ne3A_6 = arith.xori %lt3A_3, %lt3A_5 : i1
    %and3A = arith.andi %ne3A_6, %ne3A_2 : i1
    %add3A = arith.addi %rem3A, %select_n3A : i32
    %select_n3A_7 = arith.select %and3A, %add3A, %rem3A : i32
    %c0_i32 = arith.constant 0 : i32
    %c0_i32_8 = arith.constant 0 : i32
    return %select_n3A_7, %c0_i32 : i32, i32
  }
  func.func @transform_2(%arg0: i32) -> (i32, i32) {
    %jit3A = arith.constant 5 : i32
    %eq3A = arith.constant 0 : i32
    %eq3A_0 = arith.cmpi eq, %jit3A, %eq3A : i32
    %jit3A_1 = arith.constant 1 : i32
    %select_n3A = arith.select %eq3A_0, %jit3A_1, %jit3A : i32
    %rem3A = arith.remsi %arg0, %select_n3A : i32
    %ne3A = arith.constant 0 : i32
    %ne3A_2 = arith.cmpi ne, %rem3A, %ne3A : i32
    %lt3A = arith.constant 0 : i32
    %lt3A_3 = arith.cmpi slt, %rem3A, %lt3A : i32
    %lt3A_4 = arith.constant 0 : i32
    %lt3A_5 = arith.cmpi slt, %select_n3A, %lt3A_4 : i32
    %ne3A_6 = arith.xori %lt3A_3, %lt3A_5 : i1
    %and3A = arith.andi %ne3A_6, %ne3A_2 : i1
    %add3A = arith.addi %rem3A, %select_n3A : i32
    %select_n3A_7 = arith.select %and3A, %add3A, %rem3A : i32
    %add3A_8 = arith.constant 5 : i32
    %add3A_9 = arith.addi %select_n3A_7, %add3A_8 : i32
    %c0_i32 = arith.constant 0 : i32
    %c0_i32_10 = arith.constant 0 : i32
    return %add3A_9, %c0_i32 : i32, i32
  }
  func.func @transform_3(%arg0: i32) -> (i32, i32) {
    %c0_i32 = arith.constant 0 : i32
    %c0_i32_0 = arith.constant 0 : i32
    return %arg0, %c0_i32 : i32, i32
  }
}

module attributes {stable_mosaic.version = 14 : i64} {
  func.func @_tcb_body(%arg0: i32, %arg1: i32, %arg2: memref<2000x128xf32, #tpu.memory_space<vmem>>, %arg3: memref<2000x128xf32, #tpu.memory_space<vmem>>, %arg4: memref<2000x8xf32, #tpu.memory_space<vmem>>, %arg5: memref<2000x8xf32, #tpu.memory_space<vmem>>, %arg6: memref<256x128xf32, #tpu.memory_space<vmem>>, %arg7: memref<1x256xf32, #tpu.memory_space<vmem>>, %arg8: memref<2000x128xf32, #tpu.memory_space<vmem>>) attributes {dimension_semantics = [#tpu.dimension_semantics<arbitrary>, #tpu.dimension_semantics<arbitrary>], iteration_bounds = array<i64: 5, 2>, scalar_prefetch = 0 : i64, scratch_operands = 0 : i64, tpu.core_type = #tpu.core_type<tc>, window_params = [{transform_indices = @transform_0, window_bounds = array<i64: 2000, 128>}, {transform_indices = @transform_1, window_bounds = array<i64: 2000, 128>}, {transform_indices = @transform_2, window_bounds = array<i64: 2000, 8>}, {transform_indices = @transform_3, window_bounds = array<i64: 2000, 8>}, {transform_indices = @transform_4, window_bounds = array<i64: 256, 128>}, {pipeline_mode = #tpu.pipeline_mode<synchronous>, transform_indices = @transform_5, window_bounds = array<i64: 1, 256>}, {transform_indices = @transform_6, window_bounds = array<i64: 2000, 128>}]} {
    %get3A = arith.constant 0 : index
    %get3A_0 = arith.constant 0 : index
    %get3A_1 = vector.load %arg4[%get3A, %get3A_0] : memref<2000x8xf32, #tpu.memory_space<vmem>>, vector<2000x1xf32>
    %add3A = arith.constant 1.000000e+00 : f32
    %add3A_2 = vector.broadcast %add3A : f32 to vector<2000x1xf32>
    %add3A_3 = arith.addf %add3A_2, %get3A_1 : vector<2000x1xf32>
    %get3A_4 = arith.constant 0 : index
    %get3A_5 = arith.constant 0 : index
    %get3A_6 = vector.load %arg5[%get3A_4, %get3A_5] : memref<2000x8xf32, #tpu.memory_space<vmem>>, vector<2000x1xf32>
    %add3A_7 = arith.addf %add3A_3, %get3A_6 : vector<2000x1xf32>
    %rsqrt3A = math.rsqrt %add3A_7 : vector<2000x1xf32>
    %get3A_8 = arith.constant 0 : index
    %get3A_9 = arith.constant 0 : index
    %get3A_10 = vector.load %arg2[%get3A_8, %get3A_9] : memref<2000x128xf32, #tpu.memory_space<vmem>>, vector<2000x128xf32>
    %get3A_11 = arith.constant 0 : index
    %get3A_12 = arith.constant 0 : index
    %get3A_13 = vector.load %arg3[%get3A_11, %get3A_12] : memref<2000x128xf32, #tpu.memory_space<vmem>>, vector<2000x128xf32>
    %concatenate3A = tpu.concatenate %get3A_10, %get3A_13 in 1 : vector<2000x128xf32>, vector<2000x128xf32> -> vector<2000x256xf32>
    %mul3A = vector.broadcast %rsqrt3A : vector<2000x1xf32> to vector<2000x256xf32>
    %mul3A_14 = arith.mulf %concatenate3A, %mul3A : vector<2000x256xf32>
    %get3A_15 = arith.constant 0 : index
    %get3A_16 = arith.constant 0 : index
    %get3A_17 = vector.load %arg7[%get3A_15, %get3A_16] : memref<1x256xf32, #tpu.memory_space<vmem>>, vector<1x256xf32>
    %add3A_18 = vector.broadcast %get3A_17 : vector<1x256xf32> to vector<2000x256xf32>
    %add3A_19 = arith.addf %mul3A_14, %add3A_18 : vector<2000x256xf32>
    %max3A = arith.constant 0.000000e+00 : f32
    %max3A_20 = vector.broadcast %max3A : f32 to vector<2000x256xf32>
    %max3A_21 = arith.maximumf %add3A_19, %max3A_20 : vector<2000x256xf32>
    %get3A_22 = arith.constant 0 : index
    %get3A_23 = arith.constant 0 : index
    %get3A_24 = vector.load %arg6[%get3A_22, %get3A_23] : memref<256x128xf32, #tpu.memory_space<vmem>>, vector<256x128xf32>
    %dot_general3A = arith.constant dense<0.000000e+00> : vector<2000x128xf32>
    %dot_general3A_25 = tpu.matmul %max3A_21, %get3A_24, %dot_general3A {dimension_numbers = #tpu.dot_dimension_numbers<[1], [0], [0], [1], [0, 0, 1, 1], [], []>, transpose_lhs_hint = false} : vector<2000x256xf32>, vector<256x128xf32>, vector<2000x128xf32> -> vector<2000x128xf32>
    %mul3A_26 = vector.broadcast %rsqrt3A : vector<2000x1xf32> to vector<2000x128xf32>
    %mul3A_27 = arith.mulf %dot_general3A_25, %mul3A_26 : vector<2000x128xf32>
    %swap3A = arith.constant 0 : index
    %swap3A_28 = arith.constant 0 : index
    %swap3A_29 = vector.load %arg8[%swap3A, %swap3A_28] : memref<2000x128xf32, #tpu.memory_space<vmem>>, vector<2000x128xf32>
    tpu.vector_store %arg8[%swap3A, %swap3A_28], %mul3A_27 {strides = array<i32>} : memref<2000x128xf32, #tpu.memory_space<vmem>>, vector<2000x128xf32>,
    return
  }
  func.func @transform_0(%arg0: i32, %arg1: i32) -> (i32, i32) {
    %c0_i32 = arith.constant 0 : i32
    %c0_i32_0 = arith.constant 0 : i32
    return %arg0, %c0_i32 : i32, i32
  }
  func.func @transform_1(%arg0: i32, %arg1: i32) -> (i32, i32) {
    %add3A = arith.constant 5 : i32
    %add3A_0 = arith.addi %arg0, %add3A : i32
    %c0_i32 = arith.constant 0 : i32
    %c0_i32_1 = arith.constant 0 : i32
    return %add3A_0, %c0_i32 : i32, i32
  }
  func.func @transform_2(%arg0: i32, %arg1: i32) -> (i32, i32) {
    %c0_i32 = arith.constant 0 : i32
    %c0_i32_0 = arith.constant 0 : i32
    return %arg0, %c0_i32 : i32, i32
  }
  func.func @transform_3(%arg0: i32, %arg1: i32) -> (i32, i32) {
    %add3A = arith.constant 5 : i32
    %add3A_0 = arith.addi %arg0, %add3A : i32
    %c0_i32 = arith.constant 0 : i32
    %c0_i32_1 = arith.constant 0 : i32
    return %add3A_0, %c0_i32 : i32, i32
  }
  func.func @transform_4(%arg0: i32, %arg1: i32) -> (i32, i32) {
    %c0_i32 = arith.constant 0 : i32
    %c0_i32_0 = arith.constant 0 : i32
    return %c0_i32, %arg1 : i32, i32
  }
  func.func @transform_5(%arg0: i32, %arg1: i32) -> (i32, i32) {
    %c0_i32 = arith.constant 0 : i32
    %c0_i32_0 = arith.constant 0 : i32
    %c0_i32_1 = arith.constant 0 : i32
    return %c0_i32, %c0_i32_0 : i32, i32
  }
  func.func @transform_6(%arg0: i32, %arg1: i32) -> (i32, i32) {
    %mul3A = arith.constant 5 : i32
    %mul3A_0 = arith.muli %arg1, %mul3A : i32
    %add3A = arith.addi %arg0, %mul3A_0 : i32
    %c0_i32 = arith.constant 0 : i32
    %c0_i32_1 = arith.constant 0 : i32
    return %add3A, %c0_i32 : i32, i32
  }
}

module attributes {stable_mosaic.version = 14 : i64} {
  func.func @_tcc_body(%arg0: i32, %arg1: memref<2000x128xf32, #tpu.memory_space<vmem>>, %arg2: memref<2000x128xf32, #tpu.memory_space<vmem>>, %arg3: memref<2000x8xf32, #tpu.memory_space<vmem>>, %arg4: memref<2000x8xf32, #tpu.memory_space<vmem>>, %arg5: memref<1x256xf32, #tpu.memory_space<vmem>>, %arg6: memref<256x256xf32, #tpu.memory_space<vmem>>, %arg7: memref<1x256xf32, #tpu.memory_space<vmem>>, %arg8: memref<256x256xf32, #tpu.memory_space<vmem>>, %arg9: memref<1x256xf32, #tpu.memory_space<vmem>>, %arg10: memref<2000x256xf32, #tpu.memory_space<vmem>>) attributes {dimension_semantics = [#tpu.dimension_semantics<arbitrary>], iteration_bounds = array<i64: 5>, scalar_prefetch = 0 : i64, scratch_operands = 0 : i64, tpu.core_type = #tpu.core_type<tc>, window_params = [{transform_indices = @transform_0, window_bounds = array<i64: 2000, 128>}, {transform_indices = @transform_1, window_bounds = array<i64: 2000, 128>}, {transform_indices = @transform_2, window_bounds = array<i64: 2000, 8>}, {transform_indices = @transform_3, window_bounds = array<i64: 2000, 8>}, {pipeline_mode = #tpu.pipeline_mode<synchronous>, transform_indices = @transform_4, window_bounds = array<i64: 1, 256>}, {pipeline_mode = #tpu.pipeline_mode<synchronous>, transform_indices = @transform_5, window_bounds = array<i64: 256, 256>}, {pipeline_mode = #tpu.pipeline_mode<synchronous>, transform_indices = @transform_6, window_bounds = array<i64: 1, 256>}, {pipeline_mode = #tpu.pipeline_mode<synchronous>, transform_indices = @transform_7, window_bounds = array<i64: 256, 256>}, {pipeline_mode = #tpu.pipeline_mode<synchronous>, transform_indices = @transform_8, window_bounds = array<i64: 1, 256>}, {transform_indices = @transform_9, window_bounds = array<i64: 2000, 256>}]} {
    %get3A = arith.constant 0 : index
    %get3A_0 = arith.constant 0 : index
    %get3A_1 = vector.load %arg3[%get3A, %get3A_0] : memref<2000x8xf32, #tpu.memory_space<vmem>>, vector<2000x1xf32>
    %add3A = arith.constant 1.000000e+00 : f32
    %add3A_2 = vector.broadcast %add3A : f32 to vector<2000x1xf32>
    %add3A_3 = arith.addf %add3A_2, %get3A_1 : vector<2000x1xf32>
    %get3A_4 = arith.constant 0 : index
    %get3A_5 = arith.constant 0 : index
    %get3A_6 = vector.load %arg4[%get3A_4, %get3A_5] : memref<2000x8xf32, #tpu.memory_space<vmem>>, vector<2000x1xf32>
    %add3A_7 = arith.addf %add3A_3, %get3A_6 : vector<2000x1xf32>
    %rsqrt3A = math.rsqrt %add3A_7 : vector<2000x1xf32>
    %get3A_8 = arith.constant 0 : index
    %get3A_9 = arith.constant 0 : index
    %get3A_10 = vector.load %arg1[%get3A_8, %get3A_9] : memref<2000x128xf32, #tpu.memory_space<vmem>>, vector<2000x128xf32>
    %get3A_11 = arith.constant 0 : index
    %get3A_12 = arith.constant 0 : index
    %get3A_13 = vector.load %arg2[%get3A_11, %get3A_12] : memref<2000x128xf32, #tpu.memory_space<vmem>>, vector<2000x128xf32>
    %concatenate3A = tpu.concatenate %get3A_10, %get3A_13 in 1 : vector<2000x128xf32>, vector<2000x128xf32> -> vector<2000x256xf32>
    %mul3A = vector.broadcast %rsqrt3A : vector<2000x1xf32> to vector<2000x256xf32>
    %mul3A_14 = arith.mulf %concatenate3A, %mul3A : vector<2000x256xf32>
    %get3A_15 = arith.constant 0 : index
    %get3A_16 = arith.constant 0 : index
    %get3A_17 = vector.load %arg5[%get3A_15, %get3A_16] : memref<1x256xf32, #tpu.memory_space<vmem>>, vector<1x256xf32>
    %add3A_18 = vector.broadcast %get3A_17 : vector<1x256xf32> to vector<2000x256xf32>
    %add3A_19 = arith.addf %mul3A_14, %add3A_18 : vector<2000x256xf32>
    %max3A = arith.constant 0.000000e+00 : f32
    %max3A_20 = vector.broadcast %max3A : f32 to vector<2000x256xf32>
    %max3A_21 = arith.maximumf %add3A_19, %max3A_20 : vector<2000x256xf32>
    %get3A_22 = arith.constant 0 : index
    %get3A_23 = arith.constant 0 : index
    %get3A_24 = vector.load %arg6[%get3A_22, %get3A_23] : memref<256x256xf32, #tpu.memory_space<vmem>>, vector<256x256xf32>
    %dot_general3A = arith.constant dense<0.000000e+00> : vector<2000x256xf32>
    %dot_general3A_25 = tpu.matmul %max3A_21, %get3A_24, %dot_general3A {dimension_numbers = #tpu.dot_dimension_numbers<[1], [0], [0], [1], [0, 0, 1, 1], [], []>, transpose_lhs_hint = false} : vector<2000x256xf32>, vector<256x256xf32>, vector<2000x256xf32> -> vector<2000x256xf32>
    %get3A_26 = arith.constant 0 : index
    %get3A_27 = arith.constant 0 : index
    %get3A_28 = vector.load %arg7[%get3A_26, %get3A_27] : memref<1x256xf32, #tpu.memory_space<vmem>>, vector<1x256xf32>
    %add3A_29 = vector.broadcast %get3A_28 : vector<1x256xf32> to vector<2000x256xf32>
    %add3A_30 = arith.addf %dot_general3A_25, %add3A_29 : vector<2000x256xf32>
    %get3A_31 = arith.constant 0 : index
    %get3A_32 = arith.constant 0 : index
    %get3A_33 = vector.load %arg8[%get3A_31, %get3A_32] : memref<256x256xf32, #tpu.memory_space<vmem>>, vector<256x256xf32>
    %dot_general3A_34 = arith.constant dense<0.000000e+00> : vector<2000x256xf32>
    %dot_general3A_35 = tpu.matmul %add3A_30, %get3A_33, %dot_general3A_34 {dimension_numbers = #tpu.dot_dimension_numbers<[1], [0], [0], [1], [0, 0, 1, 1], [], []>, transpose_lhs_hint = false} : vector<2000x256xf32>, vector<256x256xf32>, vector<2000x256xf32> -> vector<2000x256xf32>
    %get3A_36 = arith.constant 0 : index
    %get3A_37 = arith.constant 0 : index
    %get3A_38 = vector.load %arg9[%get3A_36, %get3A_37] : memref<1x256xf32, #tpu.memory_space<vmem>>, vector<1x256xf32>
    %add3A_39 = vector.broadcast %get3A_38 : vector<1x256xf32> to vector<2000x256xf32>
    %add3A_40 = arith.addf %dot_general3A_35, %add3A_39 : vector<2000x256xf32>
    %reduce_max3A = arith.constant dense<0xFF800000> : vector<2000xf32>
    %reduce_max3A_41 = vector.multi_reduction <maximumf>, %add3A_40, %reduce_max3A [1] : vector<2000x256xf32> to vector<2000xf32>
    %broadcast_in_dim3A = vector.shape_cast %reduce_max3A_41 : vector<2000xf32> to vector<2000x1xf32>
    %sub3A = vector.broadcast %broadcast_in_dim3A : vector<2000x1xf32> to vector<2000x256xf32>
    %sub3A_42 = arith.subf %add3A_40, %sub3A : vector<2000x256xf32>
    %exp3A = math.exp %sub3A_42 : vector<2000x256xf32>
    %reduce_sum3A = arith.constant dense<0.000000e+00> : vector<2000xf32>
    %reduce_sum3A_43 = vector.multi_reduction <add>, %exp3A, %reduce_sum3A [1] : vector<2000x256xf32> to vector<2000xf32>
    %broadcast_in_dim3A_44 = vector.shape_cast %reduce_sum3A_43 : vector<2000xf32> to vector<2000x1xf32>
    %sub3A_45 = vector.broadcast %broadcast_in_dim3A : vector<2000x1xf32> to vector<2000x256xf32>
    %sub3A_46 = arith.subf %add3A_40, %sub3A_45 : vector<2000x256xf32>
    %log3A = math.log %broadcast_in_dim3A_44 : vector<2000x1xf32>
    %sub3A_47 = vector.broadcast %log3A : vector<2000x1xf32> to vector<2000x256xf32>
    %sub3A_48 = arith.subf %sub3A_46, %sub3A_47 : vector<2000x256xf32>
    %swap3A = arith.constant 0 : index
    %swap3A_49 = arith.constant 0 : index
    %swap3A_50 = vector.load %arg10[%swap3A, %swap3A_49] : memref<2000x256xf32, #tpu.memory_space<vmem>>, vector<2000x256xf32>
    tpu.vector_store %arg10[%swap3A, %swap3A_49], %sub3A_48 {strides = array<i32>} : memref<2000x256xf32, #tpu.memory_space<vmem>>, vector<2000x256xf32>,
    return
  }
  func.func @transform_0(%arg0: i32) -> (i32, i32) {
    %c0_i32 = arith.constant 0 : i32
    %c0_i32_0 = arith.constant 0 : i32
    return %arg0, %c0_i32 : i32, i32
  }
  func.func @transform_1(%arg0: i32) -> (i32, i32) {
    %add3A = arith.constant 5 : i32
    %add3A_0 = arith.addi %arg0, %add3A : i32
    %c0_i32 = arith.constant 0 : i32
    %c0_i32_1 = arith.constant 0 : i32
    return %add3A_0, %c0_i32 : i32, i32
  }
  func.func @transform_2(%arg0: i32) -> (i32, i32) {
    %c0_i32 = arith.constant 0 : i32
    %c0_i32_0 = arith.constant 0 : i32
    return %arg0, %c0_i32 : i32, i32
  }
  func.func @transform_3(%arg0: i32) -> (i32, i32) {
    %add3A = arith.constant 5 : i32
    %add3A_0 = arith.addi %arg0, %add3A : i32
    %c0_i32 = arith.constant 0 : i32
    %c0_i32_1 = arith.constant 0 : i32
    return %add3A_0, %c0_i32 : i32, i32
  }
  func.func @transform_4(%arg0: i32) -> (i32, i32) {
    %c0_i32 = arith.constant 0 : i32
    %c0_i32_0 = arith.constant 0 : i32
    %c0_i32_1 = arith.constant 0 : i32
    return %c0_i32, %c0_i32_0 : i32, i32
  }
  func.func @transform_5(%arg0: i32) -> (i32, i32) {
    %c0_i32 = arith.constant 0 : i32
    %c0_i32_0 = arith.constant 0 : i32
    %c0_i32_1 = arith.constant 0 : i32
    return %c0_i32, %c0_i32_0 : i32, i32
  }
  func.func @transform_6(%arg0: i32) -> (i32, i32) {
    %c0_i32 = arith.constant 0 : i32
    %c0_i32_0 = arith.constant 0 : i32
    %c0_i32_1 = arith.constant 0 : i32
    return %c0_i32, %c0_i32_0 : i32, i32
  }
  func.func @transform_7(%arg0: i32) -> (i32, i32) {
    %c0_i32 = arith.constant 0 : i32
    %c0_i32_0 = arith.constant 0 : i32
    %c0_i32_1 = arith.constant 0 : i32
    return %c0_i32, %c0_i32_0 : i32, i32
  }
  func.func @transform_8(%arg0: i32) -> (i32, i32) {
    %c0_i32 = arith.constant 0 : i32
    %c0_i32_0 = arith.constant 0 : i32
    %c0_i32_1 = arith.constant 0 : i32
    return %c0_i32, %c0_i32_0 : i32, i32
  }
  func.func @transform_9(%arg0: i32) -> (i32, i32) {
    %c0_i32 = arith.constant 0 : i32
    %c0_i32_0 = arith.constant 0 : i32
    return %arg0, %c0_i32 : i32, i32
  }
}

</mosaic_0001>

<sc_bundles>
// kernel: kernel.12.cloned.1.call-start
scs
__scs_entry_jumppad:
0x0: {  	(pc) =	sbr.rel $0x88, $3  }
0x1: {  	(tag) =	ssettag $0x0;
	lr =	simm.s32 $0x1  }
0x2: {  	[smem:$0x3F97] =	sst lr;
	_ =	strace $0xD0000000  }
0x3: {  	_ = 	snop  }
0x4: {  	_ = 	snop  }
0x5: {  	_ = 	snop  }
0x6: {  	_ = 	snop  }
0x7: {  	_ = 	snop  }
__scs_overlays_trampoline_lowered:
0x8: {  	[smem:$0x3FA6] =	sst s0  }
0x9: {  	[smem:$0x3FA7] =	sst s1  }
0xa: {  	[smem:$0x3FA8] =	sst s2  }
0xb: {  	[smem:$0x3FA9] =	sst s3  }
0xc: {  	[smem:$0x3FAA] =	sst s4  }
0xd: {  	[smem:$0x3FAB] =	sst s5  }
0xe: {  	[smem:$0x3FAC] =	sst s6  }
0xf: {  	[smem:$0x3FAD] =	sst s7  }
0x10: {  	[smem:$0x3FAE] =	sst s8  }
0x11: {  	[smem:$0x3FAF] =	sst s9;
	s0 =	simm.s32 @!p0 $0x0  }
0x12: {  	s1 =	sld [smem:$0x3F95];
	s0 =	simm.s32 @p0 $0x1  }
0x13: {  	[smem:$0x3FB0] =	sst s0;
	s0 =	simm.s32 @!p1 $0x0  }
0x14: {  	s2 =	sld [smem:$0x3F94];
	s0 =	simm.s32 @p1 $0x1  }
0x15: {  	[smem:$0x3FB1] =	sst s0;
	s0 =	simm.s32 @!p2 $0x0  }
0x16: {  	s3 =	sld [smem:$0x3FDB];
	s0 =	simm.s32 @p2 $0x1  }
0x17: {  	s4 =	simm.s32 $0x1BF5;
	[smem:$0x3FB3] =	sst s0  }
0x18: {  	s0 =	sld [smem:$0x3F96];
	_ =	swait.ge [sflag:s4], $0x0  }
0x19: {  	s7 =	sld [smem:$0x3F97]  }
0x1a: {  	s8 =	sadd.s32 $0xFFFFE003, lr  }
0x1b: {  	s9 =	sadd.s32 $0xFFFFFEF7, lr;
	s5 =	simm.s32 $0xFFFFFFFF;
	p2 =	slt.u32 s8, $0xFFFFF086  }
0x1c: {  	p1 =	slt.u32 s9, $0xF7A;
	s5 =	simm.s32 @!p2 $0x0  }
0x1d: {  	s5 =	simm.s32 @p1 $0x1;
	p0 =	seq.s32 s7, s2  }
0x1e: {  	s7 =	smul.u32 @!p0 $0xF7A, s2;
	p2 =	seq.s32 @!p0 s5, $0x0  }
0x1f: {  	s9 =	smul.u32 $0xF7A, s1;
	s8 =	simm.s32 @!p0 $0x1BF5;
	p2 =	por !p2, p0  }
0x20: {  	[sflag:s8] =	ssyncset.s32 @!p0 $0xFFFFF086;
	s6 =	sadd.s32 @!p0 s3, s7;
	s7 =	simm.s32 @!p0 $0x108  }
0x21: {  	s3 =	sadd.s32 s3, s9;
	s6 =	sadd.s32 @!p0 $0x88, s6;
	s7 =	simm.s32 @p2 $0x1082  }
0x22: {  	[simem:s7], [sflag:s8] =	dma.local @!p0 [hbm:s6], $0xF7A  }
0x23: {  	s9 =	sor.u32 $0xD0000000, s2;
	s6 =	simm.s32 $0x108;
	_ =	swait.ge @!p0 [sflag:s8], $0x0  }
0x24: {  	s3 =	sadd.s32 $0x88, s3;
	s6 =	simm.s32 @!p1 $0x1082;
	[sflag:s4] =	ssyncset.s32 $0xFFFFF086  }
0x25: {  	[simem:s6], [sflag:s4] =	dma.local [hbm:s3], $0xF7A  }
0x26: {  	[smem:$0x3F97] =	sst s1;
	(tag) =	ssettag s2;
	_ =	strace s9  }
0x27: {  	s1 =	sld [smem:$0x3FA7]  }
0x28: {  	s2 =	sld [smem:$0x3FA8]  }
0x29: {  	s4 =	sld [smem:$0x3FAA]  }
0x2a: {  	p0 =	seq.s32 s5, $0x0;
	s5 =	sld [smem:$0x3FAB]  }
0x2b: {  	s6 =	sld [smem:$0x3FAC]  }
0x2c: {  	s7 =	sld [smem:$0x3FAD]  }
0x2d: {  	s3 =	simm.s32 $0x108;
	s8 =	sld [smem:$0x3FAE]  }
0x2e: {  	s3 =	simm.s32 @!p0 $0x1082;
	s9 =	sld [smem:$0x3FAF]  }
0x2f: {  	lr =	sadd.s32 s0, s3;
	s0 =	sld [smem:$0x3FA6]  }
0x30: {  	s3 =	sld [smem:$0x3FA9]  }
0x31: {  	[smem:$0x3FB2] =	sst s10  }
0x32: {  	s10 =	sld [smem:$0x3FB0];
	_ =	sdelay $0x3  }
0x33: {  	p0 =	seq.s32 s10, $0x1;
	s10 =	sld [smem:$0x3FB2];
	_ =	sdelay $0x3  }
0x34: {  	[smem:$0x3FB2] =	sst s10  }
0x35: {  	s10 =	sld [smem:$0x3FB1];
	_ =	sdelay $0x3  }
0x36: {  	p1 =	seq.s32 s10, $0x1;
	s10 =	sld [smem:$0x3FB2];
	_ =	sdelay $0x3  }
0x37: {  	[smem:$0x3FB2] =	sst s10  }
0x38: {  	s10 =	sld [smem:$0x3FB3]  }
0x39: {  	_ = 	snop;
	(pc) =	sbr.ind lr, $3  }
0x3a: {  	_ = 	snop  }
0x3b: {  	_ = 	snop  }
0x3c: {  	p2 =	seq.s32 s10, $0x1;
	s10 =	sld [smem:$0x3FB2]  }
0x3d: {  	_ =	shalt  }
0x3e: {  	_ =	shalt  }
0x3f: {  	_ =	shalt  }
0x40: {  	_ =	shalt  }
0x41: {  	_ =	shalt  }
0x42: {  	_ =	shalt  }
0x43: {  	_ =	shalt  }
0x44: {  	_ =	shalt  }
0x45: {  	_ =	shalt  }
0x46: {  	_ =	shalt  }
0x47: {  	_ =	shalt  }
0x48: {  	_ =	shalt  }
0x49: {  	_ =	shalt  }
0x4a: {  	_ =	shalt  }
0x4b: {  	_ =	shalt  }
0x4c: {  	_ =	shalt  }
0x4d: {  	_ =	shalt  }
0x4e: {  	_ =	shalt  }
0x4f: {  	_ =	shalt  }
0x50: {  	_ =	shalt  }
0x51: {  	_ =	shalt  }
0x52: {  	_ =	shalt  }
0x53: {  	_ =	shalt  }
0x54: {  	_ =	shalt  }
0x55: {  	_ =	shalt  }
0x56: {  	_ =	shalt  }
0x57: {  	_ =	shalt  }
0x58: {  	_ =	shalt  }
0x59: {  	_ =	shalt  }
0x5a: {  	_ =	shalt  }
0x5b: {  	_ =	shalt  }
0x5c: {  	_ =	shalt  }
0x5d: {  	_ =	shalt  }
0x5e: {  	_ =	shalt  }
0x5f: {  	_ =	shalt  }
0x60: {  	_ =	shalt  }
0x61: {  	_ =	shalt  }
0x62: {  	_ =	shalt  }
0x63: {  	_ =	shalt  }
0x64: {  	_ =	shalt  }
0x65: {  	_ =	shalt  }
0x66: {  	_ =	shalt  }
0x67: {  	_ =	shalt  }
0x68: {  	_ =	shalt  }
0x69: {  	_ =	shalt  }
0x6a: {  	_ =	shalt  }
0x6b: {  	_ =	shalt  }
0x6c: {  	_ =	shalt  }
0x6d: {  	_ =	shalt  }
0x6e: {  	_ =	shalt  }
0x6f: {  	_ =	shalt  }
0x70: {  	_ =	shalt  }
0x71: {  	_ =	shalt  }
0x72: {  	_ =	shalt  }
0x73: {  	_ =	shalt  }
0x74: {  	_ =	shalt  }
0x75: {  	_ =	shalt  }
0x76: {  	_ =	shalt  }
0x77: {  	_ =	shalt  }
0x78: {  	_ =	shalt  }
0x79: {  	_ =	shalt  }
0x7a: {  	_ =	shalt  }
0x7b: {  	_ =	shalt  }
0x7c: {  	_ =	shalt  }
0x7d: {  	_ =	shalt  }
0x7e: {  	_ =	shalt  }
0x7f: {  	_ =	shalt  }
0x80: {  	_ =	shalt  }
0x81: {  	_ =	shalt  }
0x82: {  	_ =	shalt  }
0x83: {  	_ =	shalt  }
0x84: {  	_ =	shalt  }
0x85: {  	_ =	shalt  }
0x86: {  	_ =	shalt  }
0x87: {  	_ =	shalt  }
.Lfunc_end0:
.L_simem_size_0:
called_computation.1_lowered:
.L_overlay_start_0:
0x88: {  	s2 =	sld [smem:$0x3FD9]  }
0x89: {  	s3 =	sld [smem:$0x3FFE];
	_ =	sdelay $0x1  }
0x8a: {  	s1 =	srdreg.scid  }
0x8b: {  	s0 =	sand.u32 $0x1, s1  }
0x8c: {  	s17 =	sshll.u32 s0, $0xA;
	s2 =	sadd.s32 s3, s2  }
0x8d: {  	s2 =	sadd.s32 s2, s17  }
0x8e: {  	[smem:$0x3FBE] =	sst s2  }
0x8f: {  	_ = 	snop  }
0x90: {  	s2 =	sld [smem:$0x3FD0];
	(tm) =	ssettm $0x1  }
0x91: {  	s18 =	sld [smem:$0x3FFB];
	_ =	sdelay $0x3  }
0x92: {  	_ =	strace s18  }
0x93: {  	s3 =	sld [smem:$0x3FFC];
	_ =	sdelay $0x3  }
0x94: {  	_ =	strace s3  }
0x95: {  	s3 =	sld [smem:$0x3FFD];
	_ =	sdelay $0x3  }
0x96: {  	_ =	strace s3  }
0x97: {  	_ =	strace $0x8FFFFFFF  }
0x98: {  	s19 =	sld [smem:$0x3FDB];
	_ =	sdelay $0x1  }
0x99: {  	s4 =	simm.s32 $_scs_section_size  }
0x9a: {  	s5 =	simm.s32 $_size__tile_overlayer_lowered;
	s6 =	simm.s32 $_tile_overlayer_lowered  }
0x9b: {  	s22 =	simm.s32 $0x1BFF;
	s21 =	sshll.u32 s6, $0x1;
	s3 =	sadd.s32 s4, s19  }
0x9c: {  	s7 =	simm.s32 $0x0;
	s20 =	sshll.u32 s5, $0x1;
	s5 =	sadd.s32 s21, s3  }
0x9d: {  	[timem:s7], [sflag:s22] =	dma.local [hbm:s5], s20  }
0x9e: {  	_ =	swait.ge [sflag:s22], s20  }
0x9f: {  	s4 =	ssub.s32 $0x0, s20;
	[sflag:s22] =	ssyncset.done $0x0  }
0xa0: {  	[sflag:s22] =	ssyncadd.s32 s4;
	_ =	sdelay $0x1  }
0xa1: {  	s23 =	simm.s32 $0x1B8B  }
0xa2: {  	_ =	swait.ge [sflag:s23], $0x1  }
0xa3: {  	[sflag:s23] =	ssyncset.done $0x0  }
0xa4: {  	s25 =	simm.s32 $0x1B8E;
	s24 =	sld [smem:$0x3FFE];
	[sflag:s23] =	ssyncadd.s32 $0xFFFFFFFF  }
0xa5: {  	s26 =	simm.s32 $execute0_lowered;
	[smem:$0x3FD2] =	sst s25  }
0xa6: {  	s5 =	sshll.u32 s26, $0x1;
	_ =	strace $0x80000049;
	[dreg:$0x1] =	wrdreg $0xFFFFFFFF  }
0xa7: {  	s28 =	simm.s32 $_size_execute0_lowered;
	s3 =	sadd.s32 s3, s5;
	[dreg:$0x0] =	wrdreg $0x0  }
0xa8: {  	s5 =	sshll.u32 s28, $0x1;
	[dreg:$0x2] =	wrdreg s3  }
0xa9: {  	[dreg:$0x3] =	wrdreg s5  }
0xaa: {  	[dreg:$0x4] =	wrdreg $0xC0  }
0xab: {  	_ =	task [dreg:s7], $0x5FFFF  }
0xac: {  	[dreg:$0x1] =	wrdreg $0xFFFFFFFF  }
0xad: {  	[dreg:$0x0] =	wrdreg $0x60  }
0xae: {  	[dreg:$0x2] =	wrdreg s2  }
0xaf: {  	[dreg:$0x3] =	wrdreg s24  }
0xb0: {  	[dreg:$0x4] =	wrdreg $0x70000  }
0xb1: {  	[dreg:$0x5] =	wrdreg $0x9  }
0xb2: {  	_ =	task.clear_ibuf [dreg:s7], $0x6FFFF;
	_ =	strace $0x90000049  }
0xb3: {  	s29 =	simm.s32 $0x9;
	_ =	strace $0x8000004B  }
0xb4: {  	_ =	swait.ge [sflag:s29], $0x1  }
0xb5: {  	[sflag:s29] =	ssyncadd.s32 $0xFFFFFFFF  }
0xb6: {  	_ =	strace $0x9000004B  }
0xb7: {  	_ =	sfence  }
0xb8: {  	s30 =	sld [smem:$0x0];
	_ =	sdelay $0x2  }
0xb9: {  	s31 =	sshll.u32 s1, $0xD;
	s1 =	sshrl.u32 s1, $0x2  }
0xba: {  	s3 =	sand.u32 $0x4000, s31;
	s1 =	sadd.s32 s1, s30  }
0xbb: {  	s0 =	sor.u32 s3, s0;
	s1 =	sshll.u32 s1, $0x11  }
0xbc: {  	s0 =	sor.u32 s1, s0  }
0xbd: {  	s0 =	sadd.s32 $0x8F2B, s0  }
0xbe: {  	[sflag:s0] =	ssyncadd.remote.s32 $0x1  }
0xbf: {  	_ =	sfence.sel $0xFFFF  }
0xc0: {  	[dreg:$0x0] =	wrdreg $0xFFFFFFFF;
	(pc) =	sbr.abs _section_cstart, $3  }
0xc1: {  	[dreg:$0x1] =	wrdreg $0xFFFFFFFF  }
0xc2: {  	_ =	task.clear_ibuf [dreg:s7], $0x2FFFF;
	_ =	strace $0x9FFFFFFF  }
0xc3: {  	(tm) =	ssettm $0x7FFFFFFF  }
tec
execute0_lowered:
.L_overlay_start_1:
0x0: {  	(tag) =	ssettag $0x1  }
0x1: {  	s1 =	rddreg [dreg:$0x0]  }
0x2: {  	s6 =	rddreg [dreg:$0x1]  }
0x3: {  	s2 =	rddreg [dreg:$0x2]  }
0x4: {  	s0 =	rddreg [dreg:$0x3];
	s3 =	simm.s32 $0x0;
	s4 =	srdreg.scid  }
0x5: {  	s14 =	stileid.u32;
	s19 =	simm.s32 $0x2000;
	s20 =	simm.s32 $0x4800  }
0x6: {  	s21 =	simm.s32 $0x1;
	s22 =	simm.s32 $0x2;
	s23 =	simm.s32 $0x1C00  }
0x7: {  	[smem:$0x7FF] =	sst s3;
	s7 =	sand.u32 $0x1, s4;
	s8 =	smul.u32 $0x4E000, s14  }
0x8: {  	s4 =	sadd.s32 $0x5E000, s6;
	s11 =	smul.u32 $0x270, s14;
	s5 =	sadd.s32 $0x54000, s6  }
0x9: {  	s12 =	sadd.s32 $0x72000, s6;
	s31 =	sshll.u32 s14, $0x6;
	s9 =	smul.u32 $0x2710, s7  }
0xa: {  	s18 =	sadd.s32 $0x138000, s2;
	p0 =	sne.s32 s14, $0x0;
	s28 =	smul.u32 $0x138800, s7  }
0xb: {  	_ =	strace $0x8000004A;
	s10 =	ssub.s32 $0x2, s7;
	s30 =	smul.u32 $0x50000, s7  }
0xc: {  	s7 =	smul.u32 $0x5000, s14;
	s26 =	sshrl.u32 s10, $0x1;
	s8 =	sshrl.u32 s8, $0x2  }
0xd: {  	s9 =	sadd.s32 s11, s9;
	s13 =	ssub.s32 s10, s26;
	s15 =	sadd.s32 s8, s2  }
0xe: {  	s29 =	sshrl.u32 s28, $0x3;
	s8 =	sor.u32 $0x1C03, s31;
	s10 =	sadd.s32 s30, s7  }
0xf: {  	s16 =	sshll.u32 s9, $0x4;
	s17 =	sadd.s32 $0x27000, s29;
	s13 =	smax.u32 s13, $0x1  }
0x10: {  	s14 =	sshrl.u32 s15, $0x3;
	s15 =	simm.s32 $0x3;
	s6 =	sadd.s32 s1, s16  }
0x11: {  	s9 =	sadd.s32 s1, s17;
	s11 =	sadd.s32 s12, s16;
	s12 =	sadd.s32 s12, s17  }
0x12: {  	s16 =	sshrl.u32 @!p0 s18, $0x3;
	s17 =	simm.s32 $0x1000;
	s18 =	simm.s32 $0x50  }
.LBB2_1:
0x13: {  	[spmem:s14], [sflag:s8] =	dma.local [hbm:s6], $0x2700  }
0x14: {  	_ =	swait.ge [sflag:s15], $0x2700  }
0x15: {  	[sflag:s15] =	ssyncset.done $0x0  }
0x16: {  	s24 =	simm.s32 @!p0 $0x3;
	[sflag:s15] =	ssyncadd.s32 $0xFFFFD900  }
0x17: {  	[spmem:s16], [sflag:s8] =	dma.local @!p0 [hbm:s9], $0x100  }
0x18: {  	_ =	swait.ge @!p0 [sflag:s24], $0x100  }
0x19: {  	[sflag:s24] =	ssyncset.done @!p0 $0x0  }
0x1a: {  	[sflag:s24] =	ssyncadd.s32 @!p0 $0xFFFFFF00  }
0x1b: {  	s24 =	simm.s32 $0x0;
	[bflag:$0x0] =	sbarrier.arrive $0xFFFF  }
.LBB2_2:
0x1c: {  	s25 =	sshll.u32 s24, $0xC  }
0x1d: {  	s26 =	sadd.s32 s10, s25  }
0x1e: {  	s26 =	sshrl.u32 s26, $0x3  }
0x1f: {  	s28 =	simm.s32 $0x0;
	s26 =	sadd.s32 s4, s26  }
0x20: {  	[tilespmem:s28], [sflag:$0x3] =	stream.linear.gather [hbm4b:s26+s28], $0xC80, $0x38;
	[tilespmem:$0x1A880] =	vst v63  }
0x21: {  	s25 =	sadd.s32 s7, s25;
	_ =	swait.ge [sflag:s15], $0xC80  }
0x22: {  	s25 =	sshrl.u32 s25, $0x3;
	[sflag:s15] =	ssyncset.done $0x0  }
0x23: {  	s25 =	sadd.s32 s5, s25;
	[sflag:s15] =	ssyncadd.s32 $0xFFFFF380  }
0x24: {  	[tilespmem:s17], [sflag:$0x3] =	stream.linear.gather [hbm4b:s25+s28], $0xC80, $0x38;
	[tilespmem:$0x1A880] =	vst v63  }
0x25: {  	_ =	swait.ge [sflag:s15], $0xC80  }
0x26: {  	[sflag:s15] =	ssyncset.done $0x0  }
0x27: {  	[sflag:s15] =	ssyncadd.s32 $0xFFFFF380  }
0x28: {  	[tilespmem:s19], [sflag:$0x1] =	stream.indirect.gather [hbm4b:s1+s18], $0x80, s28, s18, $0xb8;
	[tilespmem:$0x1A880] =	vst v63  }
0x29: {  	s28 =	simm.s32 $0x80  }
0x2a: {  	[tilespmem:s20], [sflag:$0x2] =	stream.indirect.gather [hbm4b:s1+s18], $0x80, s28, s18, $0xb8;
	[tilespmem:$0x1A880] =	vst v63  }
0x2b: {  	_ =	swait.ge [sflag:s21], $0x2800  }
0x2c: {  	[sflag:s21] =	ssyncset.done $0x0  }
0x2d: {  	s29 =	simm.s32 $0x1000;
	[sflag:s21] =	ssyncadd.s32 $0xFFFFD800  }
0x2e: {  	[spmem:s2] =	stream.indirect.scatter.add.f32 [tilespmem:s19], [sflag:$0x3], $0x80, s29, s18, $0xb8;
	[tilespmem:$0x1A880] =	vst v63  }
0x2f: {  	_ =	swait.ge [sflag:s15], $0x2800  }
0x30: {  	[sflag:s15] =	ssyncset.done $0x0  }
0x31: {  	s30 =	simm.s32 $0x100;
	[sflag:s15] =	ssyncadd.s32 $0xFFFFD800  }
0x32: {  	[tilespmem:s19], [sflag:$0x1] =	stream.indirect.gather [hbm4b:s1+s18], $0x80, s30, s18, $0xb8;
	[tilespmem:$0x1A880] =	vst v63  }
0x33: {  	_ =	swait.ge [sflag:s22], $0x2800  }
0x34: {  	[sflag:s22] =	ssyncset.done $0x0  }
0x35: {  	s31 =	simm.s32 $0x1080;
	[sflag:s22] =	ssyncadd.s32 $0xFFFFD800  }
0x36: {  	[spmem:s2] =	stream.indirect.scatter.add.f32 [tilespmem:s20], [sflag:$0x3], $0x80, s31, s18, $0xb8;
	[tilespmem:$0x1A880] =	vst v63  }
0x37: {  	_ =	swait.ge [sflag:s15], $0x2800  }
0x38: {  	s26 =	simm.s32 $0x800;
	s25 =	simm.s32 $0x100;
	[sflag:s15] =	ssyncset.done $0x0  }
.LBB2_3:
0x39: {  	s28 =	sadd.s32 $0x80, s25  }
0x3a: {  	[sflag:s15] =	ssyncadd.s32 $0xFFFFD800;
	s29 =	smov.u32 s26;
	s30 =	sadd.s32 $0x400, s26  }
0x3b: {  	[tilespmem:s20], [sflag:$0x2] =	stream.indirect.gather [hbm4b:s1+s18], $0x80, s28, s18, $0xb8;
	[tilespmem:$0x1A880] =	vst v63  }
0x3c: {  	p1 =	sne.s32 s26, $0x2C00;
	_ =	swait.ge [sflag:s21], $0x2800  }
0x3d: {  	[sflag:s21] =	ssyncset.done $0x0  }
0x3e: {  	s26 =	sadd.s32 $0x1000, s25;
	[sflag:s21] =	ssyncadd.s32 $0xFFFFD800  }
0x3f: {  	[spmem:s2] =	stream.indirect.scatter.add.f32 [tilespmem:s19], [sflag:$0x3], $0x80, s26, s18, $0xb8;
	[tilespmem:$0x1A880] =	vst v63  }
0x40: {  	_ =	swait.ge [sflag:s15], $0x2800  }
0x41: {  	[sflag:s15] =	ssyncset.done $0x0  }
0x42: {  	s26 =	sadd.s32 $0x100, s25;
	[sflag:s15] =	ssyncadd.s32 $0xFFFFD800  }
0x43: {  	[tilespmem:s19], [sflag:$0x1] =	stream.indirect.gather [hbm4b:s1+s18], $0x80, s26, s18, $0xb8;
	[tilespmem:$0x1A880] =	vst v63  }
0x44: {  	_ =	swait.ge [sflag:s22], $0x2800  }
.Ltmp0:
0x45: {  	[sflag:s22] =	ssyncset.done $0x0;
	(pc) =	sbr.rel @p1 .LBB2_3-.Ltmp0, $4  }
0x46: {  	s25 =	sadd.s32 $0x1080, s25;
	[sflag:s22] =	ssyncadd.s32 $0xFFFFD800  }
0x47: {  	[spmem:s2] =	stream.indirect.scatter.add.f32 [tilespmem:s20], [sflag:$0x3], $0x80, s25, s18, $0xb8;
	[tilespmem:$0x1A880] =	vst v63  }
0x48: {  	_ =	swait.ge [sflag:s15], $0x2800  }
0x49: {  	s26 =	smov.u32 s30;
	s25 =	sshra.s32 s29, $0x2;
	[sflag:s15] =	ssyncset.done $0x0  }
0x4a: {  	s26 =	sadd.s32 $0x80, s25;
	[sflag:s15] =	ssyncadd.s32 $0xFFFFD800  }
0x4b: {  	[tilespmem:s20], [sflag:$0x2] =	stream.indirect.gather [hbm4b:s1+s18], $0x80, s26, s18, $0xb8;
	[tilespmem:$0x1A880] =	vst v63  }
0x4c: {  	_ =	swait.ge [sflag:s21], $0x2800  }
0x4d: {  	[sflag:s21] =	ssyncset.done $0x0  }
0x4e: {  	s29 =	sadd.s32 $0x1000, s25;
	[sflag:s21] =	ssyncadd.s32 $0xFFFFD800  }
0x4f: {  	[spmem:s2] =	stream.indirect.scatter.add.f32 [tilespmem:s19], [sflag:$0x3], $0x80, s29, s18, $0xb8;
	[tilespmem:$0x1A880] =	vst v63  }
0x50: {  	_ =	swait.ge [sflag:s15], $0x2800  }
0x51: {  	[sflag:s15] =	ssyncset.done $0x0  }
0x52: {  	s30 =	sadd.s32 $0x100, s25;
	[sflag:s15] =	ssyncadd.s32 $0xFFFFD800  }
0x53: {  	[tilespmem:s19], [sflag:$0x1] =	stream.indirect.gather [hbm4b:s1+s18], $0x80, s30, s18, $0xb8;
	[tilespmem:$0x1A880] =	vst v63  }
0x54: {  	_ =	swait.ge [sflag:s22], $0x2800  }
0x55: {  	[sflag:s22] =	ssyncset.done $0x0  }
0x56: {  	s31 =	sadd.s32 $0x1080, s25;
	[sflag:s22] =	ssyncadd.s32 $0xFFFFD800  }
0x57: {  	[spmem:s2] =	stream.indirect.scatter.add.f32 [tilespmem:s20], [sflag:$0x3], $0x80, s31, s18, $0xb8;
	[tilespmem:$0x1A880] =	vst v63  }
0x58: {  	_ =	swait.ge [sflag:s15], $0x2800  }
0x59: {  	[sflag:s15] =	ssyncset.done $0x0  }
0x5a: {  	[sflag:s15] =	ssyncadd.s32 $0xFFFFD800  }
0x5b: {  	s24 =	sadd.s32 $0x1, s24;
	_ =	swait.ge [sflag:s21], $0x2800  }
0x5c: {  	p1 =	sne.s32 s24, $0x5;
	[sflag:s21] =	ssyncset.done $0x0  }
.Ltmp1:
0x5d: {  	[sflag:s21] =	ssyncadd.s32 $0xFFFFD800;
	(pc) =	sbr.rel @p1 .LBB2_2-.Ltmp1, $4  }
0x5e: {  	[spmem:s2] =	stream.indirect.scatter.add.f32 [tilespmem:s19], [sflag:$0x3], $0x80, s23, s18, $0xb8;
	[tilespmem:$0x1A880] =	vst v63  }
0x5f: {  	_ =	swait.ge [sflag:s15], $0x2800  }
0x60: {  	[sflag:s15] =	ssyncset.done $0x0  }
0x61: {  	[sflag:s15] =	ssyncadd.s32 $0xFFFFD800  }
0x62: {  	[bflag:$0x0] =	sbarrier.arrive $0xFFFF  }
0x63: {  	[hbm:s11], [sflag:s8] =	dma.local [spmem:s14], $0x2700  }
0x64: {  	s3 =	sadd.s32 $0x1, s3;
	_ =	swait.ge [sflag:s15], $0x2700  }
0x65: {  	p1 =	sne.s32 s3, s13;
	[sflag:s15] =	ssyncset.done $0x0  }
.Ltmp2:
0x66: {  	s24 =	simm.s32 @!p0 $0x3;
	[sflag:s15] =	ssyncadd.s32 $0xFFFFD900;
	(pc) =	sbr.rel @p1 .LBB2_1-.Ltmp2, $4  }
0x67: {  	[hbm:s12], [sflag:s8] =	dma.local @!p0 [spmem:s16], $0x100  }
0x68: {  	_ =	swait.ge @!p0 [sflag:s24], $0x100  }
0x69: {  	[sflag:s24] =	ssyncset.done @!p0 $0x0  }
0x6a: {  	[sflag:s24] =	ssyncadd.s32 @!p0 $0xFFFFFF00  }
0x6b: {  	_ =	sfence.sel $0x180000  }
0x6c: {  	[bflag:$0x0] =	sbarrier.arrive $0xFFFF  }
0x6d: {  	_ =	strace $0x9000004A  }
0x6e: {  	s0 =	sadd.s32 @!p0 $0x100000, s0;
	[bflag:$0x2] =	sbarrier.arrive $0xFFFF  }
0x6f: {  	[sflag:s0] =	ssyncadd.tile.s32 @!p0 $0x1;
	_ =	shalt  }
.Lfunc_end2:
_tile_overlayer_lowered:
.L_overlay_start_2:
0x70: {  	(tag) =	ssettag $0x2  }
0x71: {  	s0 =	rddreg [dreg:$0x0];
	s2 =	stileid.u32  }
0x72: {  	s1 =	rddreg [dreg:$0x1];
	p0 =	sne.s32 s2, $0x0  }
0x73: {  	s3 =	rddreg [dreg:$0x2];
	[bflag:$0x3] =	sbarrier.arrive $0xFFFF;
	s2 =	simm.s32 @!p0 $0x1C03  }
0x74: {  	[timem:s3], [sflag:s2] =	dma.local @!p0 [hbm:s0], s1  }
0x75: {  	s0 =	simm.s32 @!p0 $0x3  }
0x76: {  	_ =	swait.ge @!p0 [sflag:s0], s1  }
0x77: {  	s1 =	ssub.s32 @!p0 $0x0, s1;
	[sflag:s0] =	ssyncset.done @!p0 $0x0  }
0x78: {  	[sflag:s0] =	ssyncadd.s32 @!p0 s1  }
0x79: {  	[bflag:$0x3] =	sbarrier.arrive $0xFFFF  }
0x7a: {  	_ =	shalt  }

// kernel: kernel.15.cloned.1.call-start
scs
__scs_entry_jumppad:
0x0: {  	(pc) =	sbr.rel $0x88, $3  }
0x1: {  	(tag) =	ssettag $0x0;
	lr =	simm.s32 $0x1  }
0x2: {  	[smem:$0x3F97] =	sst lr;
	_ =	strace $0xD0000000  }
0x3: {  	_ = 	snop  }
0x4: {  	_ = 	snop  }
0x5: {  	_ = 	snop  }
0x6: {  	_ = 	snop  }
0x7: {  	_ = 	snop  }
__scs_overlays_trampoline_lowered:
0x8: {  	[smem:$0x3FA6] =	sst s0  }
0x9: {  	[smem:$0x3FA7] =	sst s1  }
0xa: {  	[smem:$0x3FA8] =	sst s2  }
0xb: {  	[smem:$0x3FA9] =	sst s3  }
0xc: {  	[smem:$0x3FAA] =	sst s4  }
0xd: {  	[smem:$0x3FAB] =	sst s5  }
0xe: {  	[smem:$0x3FAC] =	sst s6  }
0xf: {  	[smem:$0x3FAD] =	sst s7  }
0x10: {  	[smem:$0x3FAE] =	sst s8  }
0x11: {  	[smem:$0x3FAF] =	sst s9;
	s0 =	simm.s32 @!p0 $0x0  }
0x12: {  	s1 =	sld [smem:$0x3F95];
	s0 =	simm.s32 @p0 $0x1  }
0x13: {  	[smem:$0x3FB0] =	sst s0;
	s0 =	simm.s32 @!p1 $0x0  }
0x14: {  	s2 =	sld [smem:$0x3F94];
	s0 =	simm.s32 @p1 $0x1  }
0x15: {  	[smem:$0x3FB1] =	sst s0;
	s0 =	simm.s32 @!p2 $0x0  }
0x16: {  	s3 =	sld [smem:$0x3FDB];
	s0 =	simm.s32 @p2 $0x1  }
0x17: {  	s4 =	simm.s32 $0x1BF5;
	[smem:$0x3FB3] =	sst s0  }
0x18: {  	s0 =	sld [smem:$0x3F96];
	_ =	swait.ge [sflag:s4], $0x0  }
0x19: {  	s7 =	sld [smem:$0x3F97]  }
0x1a: {  	s8 =	sadd.s32 $0xFFFFE003, lr  }
0x1b: {  	s9 =	sadd.s32 $0xFFFFFEF7, lr;
	s5 =	simm.s32 $0xFFFFFFFF;
	p2 =	slt.u32 s8, $0xFFFFF086  }
0x1c: {  	p1 =	slt.u32 s9, $0xF7A;
	s5 =	simm.s32 @!p2 $0x0  }
0x1d: {  	s5 =	simm.s32 @p1 $0x1;
	p0 =	seq.s32 s7, s2  }
0x1e: {  	s7 =	smul.u32 @!p0 $0xF7A, s2;
	p2 =	seq.s32 @!p0 s5, $0x0  }
0x1f: {  	s9 =	smul.u32 $0xF7A, s1;
	s8 =	simm.s32 @!p0 $0x1BF5;
	p2 =	por !p2, p0  }
0x20: {  	[sflag:s8] =	ssyncset.s32 @!p0 $0xFFFFF086;
	s6 =	sadd.s32 @!p0 s3, s7;
	s7 =	simm.s32 @!p0 $0x108  }
0x21: {  	s3 =	sadd.s32 s3, s9;
	s6 =	sadd.s32 @!p0 $0x88, s6;
	s7 =	simm.s32 @p2 $0x1082  }
0x22: {  	[simem:s7], [sflag:s8] =	dma.local @!p0 [hbm:s6], $0xF7A  }
0x23: {  	s9 =	sor.u32 $0xD0000000, s2;
	s6 =	simm.s32 $0x108;
	_ =	swait.ge @!p0 [sflag:s8], $0x0  }
0x24: {  	s3 =	sadd.s32 $0x88, s3;
	s6 =	simm.s32 @!p1 $0x1082;
	[sflag:s4] =	ssyncset.s32 $0xFFFFF086  }
0x25: {  	[simem:s6], [sflag:s4] =	dma.local [hbm:s3], $0xF7A  }
0x26: {  	[smem:$0x3F97] =	sst s1;
	(tag) =	ssettag s2;
	_ =	strace s9  }
0x27: {  	s1 =	sld [smem:$0x3FA7]  }
0x28: {  	s2 =	sld [smem:$0x3FA8]  }
0x29: {  	s4 =	sld [smem:$0x3FAA]  }
0x2a: {  	p0 =	seq.s32 s5, $0x0;
	s5 =	sld [smem:$0x3FAB]  }
0x2b: {  	s6 =	sld [smem:$0x3FAC]  }
0x2c: {  	s7 =	sld [smem:$0x3FAD]  }
0x2d: {  	s3 =	simm.s32 $0x108;
	s8 =	sld [smem:$0x3FAE]  }
0x2e: {  	s3 =	simm.s32 @!p0 $0x1082;
	s9 =	sld [smem:$0x3FAF]  }
0x2f: {  	lr =	sadd.s32 s0, s3;
	s0 =	sld [smem:$0x3FA6]  }
0x30: {  	s3 =	sld [smem:$0x3FA9]  }
0x31: {  	[smem:$0x3FB2] =	sst s10  }
0x32: {  	s10 =	sld [smem:$0x3FB0];
	_ =	sdelay $0x3  }
0x33: {  	p0 =	seq.s32 s10, $0x1;
	s10 =	sld [smem:$0x3FB2];
	_ =	sdelay $0x3  }
0x34: {  	[smem:$0x3FB2] =	sst s10  }
0x35: {  	s10 =	sld [smem:$0x3FB1];
	_ =	sdelay $0x3  }
0x36: {  	p1 =	seq.s32 s10, $0x1;
	s10 =	sld [smem:$0x3FB2];
	_ =	sdelay $0x3  }
0x37: {  	[smem:$0x3FB2] =	sst s10  }
0x38: {  	s10 =	sld [smem:$0x3FB3]  }
0x39: {  	_ = 	snop;
	(pc) =	sbr.ind lr, $3  }
0x3a: {  	_ = 	snop  }
0x3b: {  	_ = 	snop  }
0x3c: {  	p2 =	seq.s32 s10, $0x1;
	s10 =	sld [smem:$0x3FB2]  }
0x3d: {  	_ =	shalt  }
0x3e: {  	_ =	shalt  }
0x3f: {  	_ =	shalt  }
0x40: {  	_ =	shalt  }
0x41: {  	_ =	shalt  }
0x42: {  	_ =	shalt  }
0x43: {  	_ =	shalt  }
0x44: {  	_ =	shalt  }
0x45: {  	_ =	shalt  }
0x46: {  	_ =	shalt  }
0x47: {  	_ =	shalt  }
0x48: {  	_ =	shalt  }
0x49: {  	_ =	shalt  }
0x4a: {  	_ =	shalt  }
0x4b: {  	_ =	shalt  }
0x4c: {  	_ =	shalt  }
0x4d: {  	_ =	shalt  }
0x4e: {  	_ =	shalt  }
0x4f: {  	_ =	shalt  }
0x50: {  	_ =	shalt  }
0x51: {  	_ =	shalt  }
0x52: {  	_ =	shalt  }
0x53: {  	_ =	shalt  }
0x54: {  	_ =	shalt  }
0x55: {  	_ =	shalt  }
0x56: {  	_ =	shalt  }
0x57: {  	_ =	shalt  }
0x58: {  	_ =	shalt  }
0x59: {  	_ =	shalt  }
0x5a: {  	_ =	shalt  }
0x5b: {  	_ =	shalt  }
0x5c: {  	_ =	shalt  }
0x5d: {  	_ =	shalt  }
0x5e: {  	_ =	shalt  }
0x5f: {  	_ =	shalt  }
0x60: {  	_ =	shalt  }
0x61: {  	_ =	shalt  }
0x62: {  	_ =	shalt  }
0x63: {  	_ =	shalt  }
0x64: {  	_ =	shalt  }
0x65: {  	_ =	shalt  }
0x66: {  	_ =	shalt  }
0x67: {  	_ =	shalt  }
0x68: {  	_ =	shalt  }
0x69: {  	_ =	shalt  }
0x6a: {  	_ =	shalt  }
0x6b: {  	_ =	shalt  }
0x6c: {  	_ =	shalt  }
0x6d: {  	_ =	shalt  }
0x6e: {  	_ =	shalt  }
0x6f: {  	_ =	shalt  }
0x70: {  	_ =	shalt  }
0x71: {  	_ =	shalt  }
0x72: {  	_ =	shalt  }
0x73: {  	_ =	shalt  }
0x74: {  	_ =	shalt  }
0x75: {  	_ =	shalt  }
0x76: {  	_ =	shalt  }
0x77: {  	_ =	shalt  }
0x78: {  	_ =	shalt  }
0x79: {  	_ =	shalt  }
0x7a: {  	_ =	shalt  }
0x7b: {  	_ =	shalt  }
0x7c: {  	_ =	shalt  }
0x7d: {  	_ =	shalt  }
0x7e: {  	_ =	shalt  }
0x7f: {  	_ =	shalt  }
0x80: {  	_ =	shalt  }
0x81: {  	_ =	shalt  }
0x82: {  	_ =	shalt  }
0x83: {  	_ =	shalt  }
0x84: {  	_ =	shalt  }
0x85: {  	_ =	shalt  }
0x86: {  	_ =	shalt  }
0x87: {  	_ =	shalt  }
.Lfunc_end0:
.L_simem_size_0:
called_computation.2_lowered:
.L_overlay_start_0:
0x88: {  	s2 =	sld [smem:$0x3FD9]  }
0x89: {  	s3 =	sld [smem:$0x3FFE];
	_ =	sdelay $0x1  }
0x8a: {  	s1 =	srdreg.scid  }
0x8b: {  	s0 =	sand.u32 $0x1, s1  }
0x8c: {  	s17 =	sshll.u32 s0, $0xA;
	s2 =	sadd.s32 s3, s2  }
0x8d: {  	s2 =	sadd.s32 s2, s17  }
0x8e: {  	[smem:$0x3FBE] =	sst s2  }
0x8f: {  	_ = 	snop  }
0x90: {  	s2 =	sld [smem:$0x3FD0];
	(tm) =	ssettm $0x1  }
0x91: {  	s18 =	sld [smem:$0x3FFB];
	_ =	sdelay $0x3  }
0x92: {  	_ =	strace s18  }
0x93: {  	s3 =	sld [smem:$0x3FFC];
	_ =	sdelay $0x3  }
0x94: {  	_ =	strace s3  }
0x95: {  	s3 =	sld [smem:$0x3FFD];
	_ =	sdelay $0x3  }
0x96: {  	_ =	strace s3  }
0x97: {  	_ =	strace $0x8FFFFFFF  }
0x98: {  	s19 =	sld [smem:$0x3FDB];
	_ =	sdelay $0x1  }
0x99: {  	s4 =	simm.s32 $_scs_section_size  }
0x9a: {  	s5 =	simm.s32 $_size__tile_overlayer_lowered;
	s6 =	simm.s32 $_tile_overlayer_lowered  }
0x9b: {  	s22 =	simm.s32 $0x1BFF;
	s21 =	sshll.u32 s6, $0x1;
	s3 =	sadd.s32 s4, s19  }
0x9c: {  	s7 =	simm.s32 $0x0;
	s20 =	sshll.u32 s5, $0x1;
	s5 =	sadd.s32 s21, s3  }
0x9d: {  	[timem:s7], [sflag:s22] =	dma.local [hbm:s5], s20  }
0x9e: {  	_ =	swait.ge [sflag:s22], s20  }
0x9f: {  	s4 =	ssub.s32 $0x0, s20;
	[sflag:s22] =	ssyncset.done $0x0  }
0xa0: {  	[sflag:s22] =	ssyncadd.s32 s4;
	_ =	sdelay $0x1  }
0xa1: {  	s23 =	simm.s32 $0x1B8B  }
0xa2: {  	_ =	swait.ge [sflag:s23], $0x1  }
0xa3: {  	[sflag:s23] =	ssyncset.done $0x0  }
0xa4: {  	s25 =	simm.s32 $0x1B8E;
	s24 =	sld [smem:$0x3FFE];
	[sflag:s23] =	ssyncadd.s32 $0xFFFFFFFF  }
0xa5: {  	s26 =	simm.s32 $execute0_lowered;
	[smem:$0x3FD2] =	sst s25  }
0xa6: {  	s5 =	sshll.u32 s26, $0x1;
	_ =	strace $0x8000004C;
	[dreg:$0x1] =	wrdreg $0xFFFFFFFF  }
0xa7: {  	s28 =	simm.s32 $_size_execute0_lowered;
	s3 =	sadd.s32 s3, s5;
	[dreg:$0x0] =	wrdreg $0x0  }
0xa8: {  	s5 =	sshll.u32 s28, $0x1;
	[dreg:$0x2] =	wrdreg s3  }
0xa9: {  	[dreg:$0x3] =	wrdreg s5  }
0xaa: {  	[dreg:$0x4] =	wrdreg $0xC0  }
0xab: {  	_ =	task [dreg:s7], $0x5FFFF  }
0xac: {  	[dreg:$0x1] =	wrdreg $0xFFFFFFFF  }
0xad: {  	[dreg:$0x0] =	wrdreg $0x60  }
0xae: {  	[dreg:$0x2] =	wrdreg s2  }
0xaf: {  	[dreg:$0x3] =	wrdreg s24  }
0xb0: {  	[dreg:$0x4] =	wrdreg $0x70000  }
0xb1: {  	[dreg:$0x5] =	wrdreg $0x9  }
0xb2: {  	_ =	task.clear_ibuf [dreg:s7], $0x6FFFF;
	_ =	strace $0x9000004C  }
0xb3: {  	s29 =	simm.s32 $0x9;
	_ =	strace $0x8000004E  }
0xb4: {  	_ =	swait.ge [sflag:s29], $0x1  }
0xb5: {  	[sflag:s29] =	ssyncadd.s32 $0xFFFFFFFF  }
0xb6: {  	_ =	strace $0x9000004E  }
0xb7: {  	_ =	sfence  }
0xb8: {  	s30 =	sld [smem:$0x0];
	_ =	sdelay $0x2  }
0xb9: {  	s31 =	sshll.u32 s1, $0xD;
	s1 =	sshrl.u32 s1, $0x2  }
0xba: {  	s3 =	sand.u32 $0x4000, s31;
	s1 =	sadd.s32 s1, s30  }
0xbb: {  	s0 =	sor.u32 s3, s0;
	s1 =	sshll.u32 s1, $0x11  }
0xbc: {  	s0 =	sor.u32 s1, s0  }
0xbd: {  	s0 =	sadd.s32 $0x8F2B, s0  }
0xbe: {  	[sflag:s0] =	ssyncadd.remote.s32 $0x1  }
0xbf: {  	_ =	sfence.sel $0xFFFF  }
0xc0: {  	[dreg:$0x0] =	wrdreg $0xFFFFFFFF;
	(pc) =	sbr.abs _section_cstart, $3  }
0xc1: {  	[dreg:$0x1] =	wrdreg $0xFFFFFFFF  }
0xc2: {  	_ =	task.clear_ibuf [dreg:s7], $0x2FFFF;
	_ =	strace $0x9FFFFFFF  }
0xc3: {  	(tm) =	ssettm $0x7FFFFFFF  }
tec
execute0_lowered:
.L_overlay_start_1:
0x0: {  	(tag) =	ssettag $0x1  }
0x1: {  	s1 =	rddreg [dreg:$0x0]  }
0x2: {  	s6 =	rddreg [dreg:$0x1]  }
0x3: {  	s2 =	rddreg [dreg:$0x2]  }
0x4: {  	s0 =	rddreg [dreg:$0x3];
	s3 =	simm.s32 $0x0;
	s4 =	srdreg.scid  }
0x5: {  	s14 =	stileid.u32;
	s19 =	simm.s32 $0x2000;
	s20 =	simm.s32 $0x4800  }
0x6: {  	s21 =	simm.s32 $0x1;
	s22 =	simm.s32 $0x2;
	s23 =	simm.s32 $0x1C00  }
0x7: {  	[smem:$0x7FF] =	sst s3;
	s7 =	sand.u32 $0x1, s4;
	s8 =	smul.u32 $0x4E000, s14  }
0x8: {  	s4 =	sadd.s32 $0x5E000, s6;
	s11 =	smul.u32 $0x270, s14;
	s5 =	sadd.s32 $0x54000, s6  }
0x9: {  	s12 =	sadd.s32 $0x72000, s6;
	s31 =	sshll.u32 s14, $0x6;
	s9 =	smul.u32 $0x2710, s7  }
0xa: {  	s18 =	sadd.s32 $0x138000, s2;
	p0 =	sne.s32 s14, $0x0;
	s28 =	smul.u32 $0x138800, s7  }
0xb: {  	_ =	strace $0x8000004D;
	s10 =	ssub.s32 $0x2, s7;
	s30 =	smul.u32 $0x50000, s7  }
0xc: {  	s7 =	smul.u32 $0x5000, s14;
	s26 =	sshrl.u32 s10, $0x1;
	s8 =	sshrl.u32 s8, $0x2  }
0xd: {  	s9 =	sadd.s32 s11, s9;
	s13 =	ssub.s32 s10, s26;
	s15 =	sadd.s32 s8, s2  }
0xe: {  	s29 =	sshrl.u32 s28, $0x3;
	s8 =	sor.u32 $0x1C03, s31;
	s10 =	sadd.s32 s30, s7  }
0xf: {  	s16 =	sshll.u32 s9, $0x4;
	s17 =	sadd.s32 $0x27000, s29;
	s13 =	smax.u32 s13, $0x1  }
0x10: {  	s14 =	sshrl.u32 s15, $0x3;
	s15 =	simm.s32 $0x3;
	s6 =	sadd.s32 s1, s16  }
0x11: {  	s9 =	sadd.s32 s1, s17;
	s11 =	sadd.s32 s12, s16;
	s12 =	sadd.s32 s12, s17  }
0x12: {  	s16 =	sshrl.u32 @!p0 s18, $0x3;
	s17 =	simm.s32 $0x1000;
	s18 =	simm.s32 $0x50  }
.LBB2_1:
0x13: {  	[spmem:s14], [sflag:s8] =	dma.local [hbm:s6], $0x2700  }
0x14: {  	_ =	swait.ge [sflag:s15], $0x2700  }
0x15: {  	[sflag:s15] =	ssyncset.done $0x0  }
0x16: {  	s24 =	simm.s32 @!p0 $0x3;
	[sflag:s15] =	ssyncadd.s32 $0xFFFFD900  }
0x17: {  	[spmem:s16], [sflag:s8] =	dma.local @!p0 [hbm:s9], $0x100  }
0x18: {  	_ =	swait.ge @!p0 [sflag:s24], $0x100  }
0x19: {  	[sflag:s24] =	ssyncset.done @!p0 $0x0  }
0x1a: {  	[sflag:s24] =	ssyncadd.s32 @!p0 $0xFFFFFF00  }
0x1b: {  	s24 =	simm.s32 $0x0;
	[bflag:$0x0] =	sbarrier.arrive $0xFFFF  }
.LBB2_2:
0x1c: {  	s25 =	sshll.u32 s24, $0xC  }
0x1d: {  	s26 =	sadd.s32 s10, s25  }
0x1e: {  	s26 =	sshrl.u32 s26, $0x3  }
0x1f: {  	s28 =	simm.s32 $0x0;
	s26 =	sadd.s32 s4, s26  }
0x20: {  	[tilespmem:s28], [sflag:$0x3] =	stream.linear.gather [hbm4b:s26+s28], $0xC80, $0x38;
	[tilespmem:$0x1A880] =	vst v63  }
0x21: {  	s25 =	sadd.s32 s7, s25;
	_ =	swait.ge [sflag:s15], $0xC80  }
0x22: {  	s25 =	sshrl.u32 s25, $0x3;
	[sflag:s15] =	ssyncset.done $0x0  }
0x23: {  	s25 =	sadd.s32 s5, s25;
	[sflag:s15] =	ssyncadd.s32 $0xFFFFF380  }
0x24: {  	[tilespmem:s17], [sflag:$0x3] =	stream.linear.gather [hbm4b:s25+s28], $0xC80, $0x38;
	[tilespmem:$0x1A880] =	vst v63  }
0x25: {  	_ =	swait.ge [sflag:s15], $0xC80  }
0x26: {  	[sflag:s15] =	ssyncset.done $0x0  }
0x27: {  	[sflag:s15] =	ssyncadd.s32 $0xFFFFF380  }
0x28: {  	[tilespmem:s19], [sflag:$0x1] =	stream.indirect.gather [hbm4b:s1+s18], $0x80, s28, s18, $0xb8;
	[tilespmem:$0x1A880] =	vst v63  }
0x29: {  	s28 =	simm.s32 $0x80  }
0x2a: {  	[tilespmem:s20], [sflag:$0x2] =	stream.indirect.gather [hbm4b:s1+s18], $0x80, s28, s18, $0xb8;
	[tilespmem:$0x1A880] =	vst v63  }
0x2b: {  	_ =	swait.ge [sflag:s21], $0x2800  }
0x2c: {  	[sflag:s21] =	ssyncset.done $0x0  }
0x2d: {  	s29 =	simm.s32 $0x1000;
	[sflag:s21] =	ssyncadd.s32 $0xFFFFD800  }
0x2e: {  	[spmem:s2] =	stream.indirect.scatter.add.f32 [tilespmem:s19], [sflag:$0x3], $0x80, s29, s18, $0xb8;
	[tilespmem:$0x1A880] =	vst v63  }
0x2f: {  	_ =	swait.ge [sflag:s15], $0x2800  }
0x30: {  	[sflag:s15] =	ssyncset.done $0x0  }
0x31: {  	s30 =	simm.s32 $0x100;
	[sflag:s15] =	ssyncadd.s32 $0xFFFFD800  }
0x32: {  	[tilespmem:s19], [sflag:$0x1] =	stream.indirect.gather [hbm4b:s1+s18], $0x80, s30, s18, $0xb8;
	[tilespmem:$0x1A880] =	vst v63  }
0x33: {  	_ =	swait.ge [sflag:s22], $0x2800  }
0x34: {  	[sflag:s22] =	ssyncset.done $0x0  }
0x35: {  	s31 =	simm.s32 $0x1080;
	[sflag:s22] =	ssyncadd.s32 $0xFFFFD800  }
0x36: {  	[spmem:s2] =	stream.indirect.scatter.add.f32 [tilespmem:s20], [sflag:$0x3], $0x80, s31, s18, $0xb8;
	[tilespmem:$0x1A880] =	vst v63  }
0x37: {  	_ =	swait.ge [sflag:s15], $0x2800  }
0x38: {  	s26 =	simm.s32 $0x800;
	s25 =	simm.s32 $0x100;
	[sflag:s15] =	ssyncset.done $0x0  }
.LBB2_3:
0x39: {  	s28 =	sadd.s32 $0x80, s25  }
0x3a: {  	[sflag:s15] =	ssyncadd.s32 $0xFFFFD800;
	s29 =	smov.u32 s26;
	s30 =	sadd.s32 $0x400, s26  }
0x3b: {  	[tilespmem:s20], [sflag:$0x2] =	stream.indirect.gather [hbm4b:s1+s18], $0x80, s28, s18, $0xb8;
	[tilespmem:$0x1A880] =	vst v63  }
0x3c: {  	p1 =	sne.s32 s26, $0x2C00;
	_ =	swait.ge [sflag:s21], $0x2800  }
0x3d: {  	[sflag:s21] =	ssyncset.done $0x0  }
0x3e: {  	s26 =	sadd.s32 $0x1000, s25;
	[sflag:s21] =	ssyncadd.s32 $0xFFFFD800  }
0x3f: {  	[spmem:s2] =	stream.indirect.scatter.add.f32 [tilespmem:s19], [sflag:$0x3], $0x80, s26, s18, $0xb8;
	[tilespmem:$0x1A880] =	vst v63  }
0x40: {  	_ =	swait.ge [sflag:s15], $0x2800  }
0x41: {  	[sflag:s15] =	ssyncset.done $0x0  }
0x42: {  	s26 =	sadd.s32 $0x100, s25;
	[sflag:s15] =	ssyncadd.s32 $0xFFFFD800  }
0x43: {  	[tilespmem:s19], [sflag:$0x1] =	stream.indirect.gather [hbm4b:s1+s18], $0x80, s26, s18, $0xb8;
	[tilespmem:$0x1A880] =	vst v63  }
0x44: {  	_ =	swait.ge [sflag:s22], $0x2800  }
.Ltmp0:
0x45: {  	[sflag:s22] =	ssyncset.done $0x0;
	(pc) =	sbr.rel @p1 .LBB2_3-.Ltmp0, $4  }
0x46: {  	s25 =	sadd.s32 $0x1080, s25;
	[sflag:s22] =	ssyncadd.s32 $0xFFFFD800  }
0x47: {  	[spmem:s2] =	stream.indirect.scatter.add.f32 [tilespmem:s20], [sflag:$0x3], $0x80, s25, s18, $0xb8;
	[tilespmem:$0x1A880] =	vst v63  }
0x48: {  	_ =	swait.ge [sflag:s15], $0x2800  }
0x49: {  	s26 =	smov.u32 s30;
	s25 =	sshra.s32 s29, $0x2;
	[sflag:s15] =	ssyncset.done $0x0  }
0x4a: {  	s26 =	sadd.s32 $0x80, s25;
	[sflag:s15] =	ssyncadd.s32 $0xFFFFD800  }
0x4b: {  	[tilespmem:s20], [sflag:$0x2] =	stream.indirect.gather [hbm4b:s1+s18], $0x80, s26, s18, $0xb8;
	[tilespmem:$0x1A880] =	vst v63  }
0x4c: {  	_ =	swait.ge [sflag:s21], $0x2800  }
0x4d: {  	[sflag:s21] =	ssyncset.done $0x0  }
0x4e: {  	s29 =	sadd.s32 $0x1000, s25;
	[sflag:s21] =	ssyncadd.s32 $0xFFFFD800  }
0x4f: {  	[spmem:s2] =	stream.indirect.scatter.add.f32 [tilespmem:s19], [sflag:$0x3], $0x80, s29, s18, $0xb8;
	[tilespmem:$0x1A880] =	vst v63  }
0x50: {  	_ =	swait.ge [sflag:s15], $0x2800  }
0x51: {  	[sflag:s15] =	ssyncset.done $0x0  }
0x52: {  	s30 =	sadd.s32 $0x100, s25;
	[sflag:s15] =	ssyncadd.s32 $0xFFFFD800  }
0x53: {  	[tilespmem:s19], [sflag:$0x1] =	stream.indirect.gather [hbm4b:s1+s18], $0x80, s30, s18, $0xb8;
	[tilespmem:$0x1A880] =	vst v63  }
0x54: {  	_ =	swait.ge [sflag:s22], $0x2800  }
0x55: {  	[sflag:s22] =	ssyncset.done $0x0  }
0x56: {  	s31 =	sadd.s32 $0x1080, s25;
	[sflag:s22] =	ssyncadd.s32 $0xFFFFD800  }
0x57: {  	[spmem:s2] =	stream.indirect.scatter.add.f32 [tilespmem:s20], [sflag:$0x3], $0x80, s31, s18, $0xb8;
	[tilespmem:$0x1A880] =	vst v63  }
0x58: {  	_ =	swait.ge [sflag:s15], $0x2800  }
0x59: {  	[sflag:s15] =	ssyncset.done $0x0  }
0x5a: {  	[sflag:s15] =	ssyncadd.s32 $0xFFFFD800  }
0x5b: {  	s24 =	sadd.s32 $0x1, s24;
	_ =	swait.ge [sflag:s21], $0x2800  }
0x5c: {  	p1 =	sne.s32 s24, $0x5;
	[sflag:s21] =	ssyncset.done $0x0  }
.Ltmp1:
0x5d: {  	[sflag:s21] =	ssyncadd.s32 $0xFFFFD800;
	(pc) =	sbr.rel @p1 .LBB2_2-.Ltmp1, $4  }
0x5e: {  	[spmem:s2] =	stream.indirect.scatter.add.f32 [tilespmem:s19], [sflag:$0x3], $0x80, s23, s18, $0xb8;
	[tilespmem:$0x1A880] =	vst v63  }
0x5f: {  	_ =	swait.ge [sflag:s15], $0x2800  }
0x60: {  	[sflag:s15] =	ssyncset.done $0x0  }
0x61: {  	[sflag:s15] =	ssyncadd.s32 $0xFFFFD800  }
0x62: {  	[bflag:$0x0] =	sbarrier.arrive $0xFFFF  }
0x63: {  	[hbm:s11], [sflag:s8] =	dma.local [spmem:s14], $0x2700  }
0x64: {  	s3 =	sadd.s32 $0x1, s3;
	_ =	swait.ge [sflag:s15], $0x2700  }
0x65: {  	p1 =	sne.s32 s3, s13;
	[sflag:s15] =	ssyncset.done $0x0  }
.Ltmp2:
0x66: {  	s24 =	simm.s32 @!p0 $0x3;
	[sflag:s15] =	ssyncadd.s32 $0xFFFFD900;
	(pc) =	sbr.rel @p1 .LBB2_1-.Ltmp2, $4  }
0x67: {  	[hbm:s12], [sflag:s8] =	dma.local @!p0 [spmem:s16], $0x100  }
0x68: {  	_ =	swait.ge @!p0 [sflag:s24], $0x100  }
0x69: {  	[sflag:s24] =	ssyncset.done @!p0 $0x0  }
0x6a: {  	[sflag:s24] =	ssyncadd.s32 @!p0 $0xFFFFFF00  }
0x6b: {  	_ =	sfence.sel $0x180000  }
0x6c: {  	[bflag:$0x0] =	sbarrier.arrive $0xFFFF  }
0x6d: {  	_ =	strace $0x9000004D  }
0x6e: {  	s0 =	sadd.s32 @!p0 $0x100000, s0;
	[bflag:$0x2] =	sbarrier.arrive $0xFFFF  }
0x6f: {  	[sflag:s0] =	ssyncadd.tile.s32 @!p0 $0x1;
	_ =	shalt  }
.Lfunc_end2:
_tile_overlayer_lowered:
.L_overlay_start_2:
0x70: {  	(tag) =	ssettag $0x2  }
0x71: {  	s0 =	rddreg [dreg:$0x0];
	s2 =	stileid.u32  }
0x72: {  	s1 =	rddreg [dreg:$0x1];
	p0 =	sne.s32 s2, $0x0  }
0x73: {  	s3 =	rddreg [dreg:$0x2];
	[bflag:$0x3] =	sbarrier.arrive $0xFFFF;
	s2 =	simm.s32 @!p0 $0x1C03  }
0x74: {  	[timem:s3], [sflag:s2] =	dma.local @!p0 [hbm:s0], s1  }
0x75: {  	s0 =	simm.s32 @!p0 $0x3  }
0x76: {  	_ =	swait.ge @!p0 [sflag:s0], s1  }
0x77: {  	s1 =	ssub.s32 @!p0 $0x0, s1;
	[sflag:s0] =	ssyncset.done @!p0 $0x0  }
0x78: {  	[sflag:s0] =	ssyncadd.s32 @!p0 s1  }
0x79: {  	[bflag:$0x3] =	sbarrier.arrive $0xFFFF  }
0x7a: {  	_ =	shalt  }

// kernel: kernel.9.cloned.1.call-start
scs
__scs_entry_jumppad:
0x0: {  	(pc) =	sbr.rel $0x88, $3  }
0x1: {  	(tag) =	ssettag $0x0;
	lr =	simm.s32 $0x1  }
0x2: {  	[smem:$0x3F97] =	sst lr;
	_ =	strace $0xD0000000  }
0x3: {  	_ = 	snop  }
0x4: {  	_ = 	snop  }
0x5: {  	_ = 	snop  }
0x6: {  	_ = 	snop  }
0x7: {  	_ = 	snop  }
__scs_overlays_trampoline_lowered:
0x8: {  	[smem:$0x3FA6] =	sst s0  }
0x9: {  	[smem:$0x3FA7] =	sst s1  }
0xa: {  	[smem:$0x3FA8] =	sst s2  }
0xb: {  	[smem:$0x3FA9] =	sst s3  }
0xc: {  	[smem:$0x3FAA] =	sst s4  }
0xd: {  	[smem:$0x3FAB] =	sst s5  }
0xe: {  	[smem:$0x3FAC] =	sst s6  }
0xf: {  	[smem:$0x3FAD] =	sst s7  }
0x10: {  	[smem:$0x3FAE] =	sst s8  }
0x11: {  	[smem:$0x3FAF] =	sst s9;
	s0 =	simm.s32 @!p0 $0x0  }
0x12: {  	s1 =	sld [smem:$0x3F95];
	s0 =	simm.s32 @p0 $0x1  }
0x13: {  	[smem:$0x3FB0] =	sst s0;
	s0 =	simm.s32 @!p1 $0x0  }
0x14: {  	s2 =	sld [smem:$0x3F94];
	s0 =	simm.s32 @p1 $0x1  }
0x15: {  	[smem:$0x3FB1] =	sst s0;
	s0 =	simm.s32 @!p2 $0x0  }
0x16: {  	s3 =	sld [smem:$0x3FDB];
	s0 =	simm.s32 @p2 $0x1  }
0x17: {  	s4 =	simm.s32 $0x1BF5;
	[smem:$0x3FB3] =	sst s0  }
0x18: {  	s0 =	sld [smem:$0x3F96];
	_ =	swait.ge [sflag:s4], $0x0  }
0x19: {  	s7 =	sld [smem:$0x3F97]  }
0x1a: {  	s8 =	sadd.s32 $0xFFFFE003, lr  }
0x1b: {  	s9 =	sadd.s32 $0xFFFFFEF7, lr;
	s5 =	simm.s32 $0xFFFFFFFF;
	p2 =	slt.u32 s8, $0xFFFFF086  }
0x1c: {  	p1 =	slt.u32 s9, $0xF7A;
	s5 =	simm.s32 @!p2 $0x0  }
0x1d: {  	s5 =	simm.s32 @p1 $0x1;
	p0 =	seq.s32 s7, s2  }
0x1e: {  	s7 =	smul.u32 @!p0 $0xF7A, s2;
	p2 =	seq.s32 @!p0 s5, $0x0  }
0x1f: {  	s9 =	smul.u32 $0xF7A, s1;
	s8 =	simm.s32 @!p0 $0x1BF5;
	p2 =	por !p2, p0  }
0x20: {  	[sflag:s8] =	ssyncset.s32 @!p0 $0xFFFFF086;
	s6 =	sadd.s32 @!p0 s3, s7;
	s7 =	simm.s32 @!p0 $0x108  }
0x21: {  	s3 =	sadd.s32 s3, s9;
	s6 =	sadd.s32 @!p0 $0x88, s6;
	s7 =	simm.s32 @p2 $0x1082  }
0x22: {  	[simem:s7], [sflag:s8] =	dma.local @!p0 [hbm:s6], $0xF7A  }
0x23: {  	s9 =	sor.u32 $0xD0000000, s2;
	s6 =	simm.s32 $0x108;
	_ =	swait.ge @!p0 [sflag:s8], $0x0  }
0x24: {  	s3 =	sadd.s32 $0x88, s3;
	s6 =	simm.s32 @!p1 $0x1082;
	[sflag:s4] =	ssyncset.s32 $0xFFFFF086  }
0x25: {  	[simem:s6], [sflag:s4] =	dma.local [hbm:s3], $0xF7A  }
0x26: {  	[smem:$0x3F97] =	sst s1;
	(tag) =	ssettag s2;
	_ =	strace s9  }
0x27: {  	s1 =	sld [smem:$0x3FA7]  }
0x28: {  	s2 =	sld [smem:$0x3FA8]  }
0x29: {  	s4 =	sld [smem:$0x3FAA]  }
0x2a: {  	p0 =	seq.s32 s5, $0x0;
	s5 =	sld [smem:$0x3FAB]  }
0x2b: {  	s6 =	sld [smem:$0x3FAC]  }
0x2c: {  	s7 =	sld [smem:$0x3FAD]  }
0x2d: {  	s3 =	simm.s32 $0x108;
	s8 =	sld [smem:$0x3FAE]  }
0x2e: {  	s3 =	simm.s32 @!p0 $0x1082;
	s9 =	sld [smem:$0x3FAF]  }
0x2f: {  	lr =	sadd.s32 s0, s3;
	s0 =	sld [smem:$0x3FA6]  }
0x30: {  	s3 =	sld [smem:$0x3FA9]  }
0x31: {  	[smem:$0x3FB2] =	sst s10  }
0x32: {  	s10 =	sld [smem:$0x3FB0];
	_ =	sdelay $0x3  }
0x33: {  	p0 =	seq.s32 s10, $0x1;
	s10 =	sld [smem:$0x3FB2];
	_ =	sdelay $0x3  }
0x34: {  	[smem:$0x3FB2] =	sst s10  }
0x35: {  	s10 =	sld [smem:$0x3FB1];
	_ =	sdelay $0x3  }
0x36: {  	p1 =	seq.s32 s10, $0x1;
	s10 =	sld [smem:$0x3FB2];
	_ =	sdelay $0x3  }
0x37: {  	[smem:$0x3FB2] =	sst s10  }
0x38: {  	s10 =	sld [smem:$0x3FB3]  }
0x39: {  	_ = 	snop;
	(pc) =	sbr.ind lr, $3  }
0x3a: {  	_ = 	snop  }
0x3b: {  	_ = 	snop  }
0x3c: {  	p2 =	seq.s32 s10, $0x1;
	s10 =	sld [smem:$0x3FB2]  }
0x3d: {  	_ =	shalt  }
0x3e: {  	_ =	shalt  }
0x3f: {  	_ =	shalt  }
0x40: {  	_ =	shalt  }
0x41: {  	_ =	shalt  }
0x42: {  	_ =	shalt  }
0x43: {  	_ =	shalt  }
0x44: {  	_ =	shalt  }
0x45: {  	_ =	shalt  }
0x46: {  	_ =	shalt  }
0x47: {  	_ =	shalt  }
0x48: {  	_ =	shalt  }
0x49: {  	_ =	shalt  }
0x4a: {  	_ =	shalt  }
0x4b: {  	_ =	shalt  }
0x4c: {  	_ =	shalt  }
0x4d: {  	_ =	shalt  }
0x4e: {  	_ =	shalt  }
0x4f: {  	_ =	shalt  }
0x50: {  	_ =	shalt  }
0x51: {  	_ =	shalt  }
0x52: {  	_ =	shalt  }
0x53: {  	_ =	shalt  }
0x54: {  	_ =	shalt  }
0x55: {  	_ =	shalt  }
0x56: {  	_ =	shalt  }
0x57: {  	_ =	shalt  }
0x58: {  	_ =	shalt  }
0x59: {  	_ =	shalt  }
0x5a: {  	_ =	shalt  }
0x5b: {  	_ =	shalt  }
0x5c: {  	_ =	shalt  }
0x5d: {  	_ =	shalt  }
0x5e: {  	_ =	shalt  }
0x5f: {  	_ =	shalt  }
0x60: {  	_ =	shalt  }
0x61: {  	_ =	shalt  }
0x62: {  	_ =	shalt  }
0x63: {  	_ =	shalt  }
0x64: {  	_ =	shalt  }
0x65: {  	_ =	shalt  }
0x66: {  	_ =	shalt  }
0x67: {  	_ =	shalt  }
0x68: {  	_ =	shalt  }
0x69: {  	_ =	shalt  }
0x6a: {  	_ =	shalt  }
0x6b: {  	_ =	shalt  }
0x6c: {  	_ =	shalt  }
0x6d: {  	_ =	shalt  }
0x6e: {  	_ =	shalt  }
0x6f: {  	_ =	shalt  }
0x70: {  	_ =	shalt  }
0x71: {  	_ =	shalt  }
0x72: {  	_ =	shalt  }
0x73: {  	_ =	shalt  }
0x74: {  	_ =	shalt  }
0x75: {  	_ =	shalt  }
0x76: {  	_ =	shalt  }
0x77: {  	_ =	shalt  }
0x78: {  	_ =	shalt  }
0x79: {  	_ =	shalt  }
0x7a: {  	_ =	shalt  }
0x7b: {  	_ =	shalt  }
0x7c: {  	_ =	shalt  }
0x7d: {  	_ =	shalt  }
0x7e: {  	_ =	shalt  }
0x7f: {  	_ =	shalt  }
0x80: {  	_ =	shalt  }
0x81: {  	_ =	shalt  }
0x82: {  	_ =	shalt  }
0x83: {  	_ =	shalt  }
0x84: {  	_ =	shalt  }
0x85: {  	_ =	shalt  }
0x86: {  	_ =	shalt  }
0x87: {  	_ =	shalt  }
.Lfunc_end0:
.L_simem_size_0:
called_computation_lowered:
.L_overlay_start_0:
0x88: {  	s2 =	sld [smem:$0x3FD9]  }
0x89: {  	s3 =	sld [smem:$0x3FFE];
	_ =	sdelay $0x1  }
0x8a: {  	s1 =	srdreg.scid  }
0x8b: {  	s0 =	sand.u32 $0x1, s1  }
0x8c: {  	s17 =	sshll.u32 s0, $0xA;
	s2 =	sadd.s32 s3, s2  }
0x8d: {  	s2 =	sadd.s32 s2, s17  }
0x8e: {  	[smem:$0x3FBE] =	sst s2  }
0x8f: {  	_ = 	snop  }
0x90: {  	s2 =	sld [smem:$0x3FD0];
	(tm) =	ssettm $0x1  }
0x91: {  	s18 =	sld [smem:$0x3FFB];
	_ =	sdelay $0x3  }
0x92: {  	_ =	strace s18  }
0x93: {  	s3 =	sld [smem:$0x3FFC];
	_ =	sdelay $0x3  }
0x94: {  	_ =	strace s3  }
0x95: {  	s3 =	sld [smem:$0x3FFD];
	_ =	sdelay $0x3  }
0x96: {  	_ =	strace s3  }
0x97: {  	_ =	strace $0x8FFFFFFF  }
0x98: {  	s19 =	sld [smem:$0x3FDB];
	_ =	sdelay $0x1  }
0x99: {  	s4 =	simm.s32 $_scs_section_size  }
0x9a: {  	s5 =	simm.s32 $_size__tile_overlayer_lowered;
	s6 =	simm.s32 $_tile_overlayer_lowered  }
0x9b: {  	s22 =	simm.s32 $0x1BFF;
	s21 =	sshll.u32 s6, $0x1;
	s3 =	sadd.s32 s4, s19  }
0x9c: {  	s7 =	simm.s32 $0x0;
	s20 =	sshll.u32 s5, $0x1;
	s5 =	sadd.s32 s21, s3  }
0x9d: {  	[timem:s7], [sflag:s22] =	dma.local [hbm:s5], s20  }
0x9e: {  	_ =	swait.ge [sflag:s22], s20  }
0x9f: {  	s4 =	ssub.s32 $0x0, s20;
	[sflag:s22] =	ssyncset.done $0x0  }
0xa0: {  	[sflag:s22] =	ssyncadd.s32 s4;
	_ =	sdelay $0x1  }
0xa1: {  	s23 =	simm.s32 $0x1B8B  }
0xa2: {  	_ =	swait.ge [sflag:s23], $0x1  }
0xa3: {  	[sflag:s23] =	ssyncset.done $0x0  }
0xa4: {  	s25 =	simm.s32 $0x1B8E;
	s24 =	sld [smem:$0x3FFE];
	[sflag:s23] =	ssyncadd.s32 $0xFFFFFFFF  }
0xa5: {  	s26 =	simm.s32 $execute0_lowered;
	[smem:$0x3FD2] =	sst s25  }
0xa6: {  	s5 =	sshll.u32 s26, $0x1;
	_ =	strace $0x80000046;
	[dreg:$0x1] =	wrdreg $0xFFFFFFFF  }
0xa7: {  	s28 =	simm.s32 $_size_execute0_lowered;
	s3 =	sadd.s32 s3, s5;
	[dreg:$0x0] =	wrdreg $0x0  }
0xa8: {  	s5 =	sshll.u32 s28, $0x1;
	[dreg:$0x2] =	wrdreg s3  }
0xa9: {  	[dreg:$0x3] =	wrdreg s5  }
0xaa: {  	[dreg:$0x4] =	wrdreg $0xC0  }
0xab: {  	_ =	task [dreg:s7], $0x5FFFF  }
0xac: {  	[dreg:$0x1] =	wrdreg $0xFFFFFFFF  }
0xad: {  	[dreg:$0x0] =	wrdreg $0x60  }
0xae: {  	[dreg:$0x2] =	wrdreg s2  }
0xaf: {  	[dreg:$0x3] =	wrdreg s24  }
0xb0: {  	[dreg:$0x4] =	wrdreg $0x68000  }
0xb1: {  	[dreg:$0x5] =	wrdreg $0x9  }
0xb2: {  	_ =	task.clear_ibuf [dreg:s7], $0x6FFFF;
	_ =	strace $0x90000046  }
0xb3: {  	s29 =	simm.s32 $0x9;
	_ =	strace $0x80000048  }
0xb4: {  	_ =	swait.ge [sflag:s29], $0x1  }
0xb5: {  	[sflag:s29] =	ssyncadd.s32 $0xFFFFFFFF  }
0xb6: {  	_ =	strace $0x90000048  }
0xb7: {  	_ =	sfence  }
0xb8: {  	s30 =	sld [smem:$0x0];
	_ =	sdelay $0x2  }
0xb9: {  	s31 =	sshll.u32 s1, $0xD;
	s1 =	sshrl.u32 s1, $0x2  }
0xba: {  	s3 =	sand.u32 $0x4000, s31;
	s1 =	sadd.s32 s1, s30  }
0xbb: {  	s0 =	sor.u32 s3, s0;
	s1 =	sshll.u32 s1, $0x11  }
0xbc: {  	s0 =	sor.u32 s1, s0  }
0xbd: {  	s0 =	sadd.s32 $0x8F2B, s0  }
0xbe: {  	[sflag:s0] =	ssyncadd.remote.s32 $0x1  }
0xbf: {  	_ =	sfence.sel $0xFFFF  }
0xc0: {  	[dreg:$0x0] =	wrdreg $0xFFFFFFFF;
	(pc) =	sbr.abs _section_cstart, $3  }
0xc1: {  	[dreg:$0x1] =	wrdreg $0xFFFFFFFF  }
0xc2: {  	_ =	task.clear_ibuf [dreg:s7], $0x2FFFF;
	_ =	strace $0x9FFFFFFF  }
0xc3: {  	(tm) =	ssettm $0x7FFFFFFF  }
tec
execute0_lowered:
.L_overlay_start_1:
0x0: {  	(tag) =	ssettag $0x1  }
0x1: {  	s5 =	rddreg [dreg:$0x0]  }
0x2: {  	s6 =	rddreg [dreg:$0x1]  }
0x3: {  	s1 =	rddreg [dreg:$0x2]  }
0x4: {  	s0 =	rddreg [dreg:$0x3]  }
0x5: {  	s2 =	simm.s32 $0x0;
	s3 =	srdreg.scid;
	s12 =	stileid.u32  }
0x6: {  	[smem:$0x7FF] =	sst s2;
	s16 =	sand.u32 $0x1, s3;
	s8 =	smul.u32 $0x2700, s12  }
0x7: {  	s3 =	sadd.s32 $0x3000, s6;
	s4 =	sadd.s32 $0x3600, s6;
	s10 =	smul.u32 $0x4E000, s12  }
0x8: {  	s6 =	sadd.s32 $0x5E00, s6;
	s11 =	sshll.u32 s12, $0xB;
	s15 =	sadd.s32 $0x138000, s1  }
0x9: {  	p0 =	sne.s32 s12, $0x0;
	s12 =	sshll.u32 s12, $0x6;
	s30 =	smul.u32 $0x138800, s16  }
0xa: {  	_ =	strace $0x80000047;
	s7 =	ssub.s32 $0x2, s16;
	s13 =	smul.u32 $0x27100, s16  }
0xb: {  	s5 =	sadd.s32 s5, s11;
	s31 =	smul.u32 $0x7C00, s16;
	s11 =	simm.s32 $0x4000  }
0xc: {  	s12 =	sor.u32 $0x1C01, s12;
	p1 =	seq.s32 s16, $0x0;
	s9 =	sshrl.u32 s7, $0x1  }
0xd: {  	s16 =	simm.s32 $0x0;
	s10 =	sshrl.u32 s10, $0x2;
	s9 =	ssub.s32 s7, s9  }
0xe: {  	s14 =	sadd.s32 s10, s1;
	s7 =	sshrl.u32 s30, $0x3;
	s8 =	sadd.s32 s8, s13  }
0xf: {  	s10 =	simm.s32 $0x1;
	s7 =	sadd.s32 s6, s7;
	s6 =	sadd.s32 s6, s8  }
0x10: {  	s8 =	smax.u32 s9, $0x1;
	s9 =	sshrl.u32 s31, $0x2;
	s13 =	sshrl.u32 s14, $0x3  }
0x11: {  	s14 =	sshrl.u32 @!p0 s15, $0x3;
	s15 =	simm.s32 $0x50;
	s7 =	sadd.s32 $0x27000, s7  }
.LBB2_1:
0x12: {  	[tilespmem:s2], [sflag:$0x1] =	stream.linear.gather [hbm4b:s5+s2], $0x3E80, $0x38;
	[tilespmem:$0x1A080] =	vst v63  }
0x13: {  	_ =	swait.ge [sflag:s10], $0x3E80  }
0x14: {  	[sflag:s10] =	ssyncset.done $0x0  }
0x15: {  	[sflag:s10] =	ssyncadd.s32 $0xFFFFC180  }
0x16: {  	[tilespmem:s11], [sflag:$0x1] =	stream.linear.gather [hbm4b:s3+s2], $0x2800, $0x38;
	[tilespmem:$0x1A080] =	vst v63  }
0x17: {  	_ =	swait.ge [sflag:s10], $0x2800  }
0x18: {  	[sflag:s10] =	ssyncset.done $0x0  }
0x19: {  	[sflag:s10] =	ssyncadd.s32 $0xFFFFD800  }
0x1a: {  	[spmem:s13], [sflag:s12] =	dma.local [hbm:s4], $0x2700  }
0x1b: {  	_ =	swait.ge [sflag:s10], $0x2700  }
0x1c: {  	[sflag:s10] =	ssyncset.done $0x0  }
0x1d: {  	s17 =	simm.s32 @!p0 $0x1;
	[sflag:s10] =	ssyncadd.s32 $0xFFFFD900  }
0x1e: {  	[spmem:s14], [sflag:s12] =	dma.local @!p0 [hbm:s4], $0x100  }
0x1f: {  	_ =	swait.ge @!p0 [sflag:s17], $0x100  }
0x20: {  	[sflag:s17] =	ssyncset.done @!p0 $0x0  }
0x21: {  	[sflag:s17] =	ssyncadd.s32 @!p0 $0xFFFFFF00  }
0x22: {  	s31 =	sadd.s32 $0x0, s9;
	[bflag:$0x0] =	sbarrier.arrive $0xFFFF  }
0x23: {  	[spmem:s1] =	stream.indirect.scatter.add.f32 [tilespmem:s11], [sflag:$0x1], $0x80, s31, s15, $0xb8;
	[tilespmem:$0x1A080] =	vst v63  }
0x24: {  	s17 =	simm.s32 $0x200;
	_ =	swait.ge [sflag:s10], $0x2800  }
.LBB2_2:
0x25: {  	s18 =	sshra.s32 s17, $0x2;
	[sflag:s10] =	ssyncset.done $0x0;
	p2 =	sne.s32 s17, $0x7A00  }
.Ltmp0:
0x26: {  	s18 =	sadd.s32 s18, s9;
	[sflag:s10] =	ssyncadd.s32 $0xFFFFD800;
	(pc) =	sbr.rel @p2 .LBB2_2-.Ltmp0, $3  }
0x27: {  	[spmem:s1] =	stream.indirect.scatter.add.f32 [tilespmem:s11], [sflag:$0x1], $0x80, s18, s15, $0xb8;
	[tilespmem:$0x1A080] =	vst v63  }
0x28: {  	s17 =	sadd.s32 $0x200, s17;
	_ =	sdelay $0x1  }
0x29: {  	_ =	swait.ge [sflag:s10], $0x2800  }
0x2a: {  	[sflag:s10] =	ssyncset.done $0x0;
	s17 =	simm.s32 @!p1 $0x50  }
0x2b: {  	s18 =	simm.s32 @!p1 $0x3E00;
	s19 =	simm.s32 @!p1 $0x4000;
	[sflag:s10] =	ssyncadd.s32 $0xFFFFD800  }
0x2c: {  	[spmem:s1] =	stream.indirect.scatter.add.f32 @!p1 [tilespmem:s19], [sflag:$0x1], $0x80, s18, s17, $0xb8;
	[tilespmem:$0x1A080] =	vst v63  }
0x2d: {  	s17 =	simm.s32 @!p1 $0x1  }
0x2e: {  	_ =	swait.ge @!p1 [sflag:s17], $0x2800  }
0x2f: {  	[sflag:s17] =	ssyncset.done @!p1 $0x0  }
0x30: {  	[sflag:s17] =	ssyncadd.s32 @!p1 $0xFFFFD800  }
0x31: {  	[bflag:$0x0] =	sbarrier.arrive $0xFFFF  }
0x32: {  	[hbm:s6], [sflag:s12] =	dma.local [spmem:s13], $0x2700  }
0x33: {  	s16 =	sadd.s32 $0x1, s16;
	_ =	swait.ge [sflag:s10], $0x2700  }
0x34: {  	p2 =	sne.s32 s16, s8;
	[sflag:s10] =	ssyncset.done $0x0  }
.Ltmp1:
0x35: {  	s17 =	simm.s32 @!p0 $0x1;
	[sflag:s10] =	ssyncadd.s32 $0xFFFFD900;
	(pc) =	sbr.rel @p2 .LBB2_1-.Ltmp1, $4  }
0x36: {  	[hbm:s7], [sflag:s12] =	dma.local @!p0 [spmem:s14], $0x100  }
0x37: {  	_ =	swait.ge @!p0 [sflag:s17], $0x100  }
0x38: {  	[sflag:s17] =	ssyncset.done @!p0 $0x0  }
0x39: {  	[sflag:s17] =	ssyncadd.s32 @!p0 $0xFFFFFF00  }
0x3a: {  	_ =	sfence.sel $0x180000  }
0x3b: {  	[bflag:$0x0] =	sbarrier.arrive $0xFFFF  }
0x3c: {  	_ =	strace $0x90000047  }
0x3d: {  	s0 =	sadd.s32 @!p0 $0x100000, s0;
	[bflag:$0x2] =	sbarrier.arrive $0xFFFF  }
0x3e: {  	[sflag:s0] =	ssyncadd.tile.s32 @!p0 $0x1;
	_ =	shalt  }
.Lfunc_end2:
_tile_overlayer_lowered:
.L_overlay_start_2:
0x3f: {  	(tag) =	ssettag $0x2  }
0x40: {  	s0 =	rddreg [dreg:$0x0];
	s2 =	stileid.u32  }
0x41: {  	s1 =	rddreg [dreg:$0x1];
	p0 =	sne.s32 s2, $0x0  }
0x42: {  	s3 =	rddreg [dreg:$0x2];
	[bflag:$0x3] =	sbarrier.arrive $0xFFFF;
	s2 =	simm.s32 @!p0 $0x1C01  }
0x43: {  	[timem:s3], [sflag:s2] =	dma.local @!p0 [hbm:s0], s1  }
0x44: {  	s0 =	simm.s32 @!p0 $0x1  }
0x45: {  	_ =	swait.ge @!p0 [sflag:s0], s1  }
0x46: {  	s1 =	ssub.s32 @!p0 $0x0, s1;
	[sflag:s0] =	ssyncset.done @!p0 $0x0  }
0x47: {  	[sflag:s0] =	ssyncadd.s32 @!p0 s1  }
0x48: {  	[bflag:$0x3] =	sbarrier.arrive $0xFFFF  }
0x49: {  	_ =	shalt  }

</sc_bundles>
